<compile_context>
chip_gen: v7x
topology: tpu7x:2x2x1
jax: 0.10.2.dev20260603
libtpu: 0.0.44.dev20260713+nightly
codegen_flags: <defaults>
</compile_context>

<pallas_src>
import functools

import jax
import jax.numpy as jnp
from jax import lax
from jax.experimental import pallas as pl
from jax.experimental.pallas import tpu as pltpu
from jax.experimental.pallas import tpu_sc as plsc

N = 10000
E = 320000
D_IN = 128
D = 64

NC = 2
NS = 16
NW = NC * NS
EPW = E // NW
B = 128
NDEEP = 2
NCHUNK = NDEEP * (-(-EPW // (NDEEP * B)))
EPW_PAD = NCHUNK * B
NP = 10112
RPT = NP // NS
PW = 80

assert NP % (8 * NS) == 0 and NP > N

_ROWS_BLK = NP // 8


def _qkv_body(x_ref, wq, bq, wk, bk, wv, bv, ws, bs, q_o, k_o, v_o, s_o):
    xb = x_ref[...]
    q_o[...] = jnp.dot(xb, wq[...], preferred_element_type=jnp.float32) + bq[...]
    k_o[...] = jnp.dot(xb, wk[...], preferred_element_type=jnp.float32) + bk[...]
    v_o[...] = jnp.dot(xb, wv[...], preferred_element_type=jnp.float32) + bv[...]
    s_o[...] = jnp.dot(xb, ws[...], preferred_element_type=jnp.float32) + bs[...]


def _qkv_call(xp, W_q, b_q, W_k, b_k, W_v, b_v, W_skip, b_skip):
    mat = pl.BlockSpec((128, D), lambda i: (0, 0))
    vec = pl.BlockSpec((1, D), lambda i: (0, 0))
    out = pl.BlockSpec((_ROWS_BLK, D), lambda i: (i, 0))
    shp = jax.ShapeDtypeStruct((NP, D), jnp.float32)
    return pl.pallas_call(
        _qkv_body,
        grid=(8,),
        in_specs=[pl.BlockSpec((_ROWS_BLK, D_IN), lambda i: (i, 0)),
                  mat, vec, mat, vec, mat, vec, mat, vec],
        out_specs=[out, out, out, out],
        out_shape=[shp, shp, shp, shp],
    )(xp, W_q, b_q.reshape(1, D), W_k, b_k.reshape(1, D),
      W_v, b_v.reshape(1, D), W_skip, b_skip.reshape(1, D))


def _edge_body(q_hbm, k_hbm, v_hbm, dst_hbm, src_hbm, zero_hbm, out_hbm,
               idxd, idxs, qrows_a, krows_a, vrows_a, qrows_b, krows_b,
               vrows_b, packed_a, accum,
               s1, s2, s3, s4, s5, s6):
    cid = lax.axis_index("c")
    sid = lax.axis_index("s")
    wid = sid * NC + cid

    pltpu.sync_copy(zero_hbm, accum.at[pl.ds(sid * RPT, RPT)])
    pltpu.sync_copy(dst_hbm.at[wid], idxd)
    pltpu.sync_copy(src_hbm.at[wid], idxs)
    plsc.subcore_barrier()

    lane0 = lax.iota(jnp.int32, 16) == 0
    bufs = ((qrows_a, krows_a, vrows_a, s1, s2, s3, packed_a),
            (qrows_b, krows_b, vrows_b, s4, s5, s6, packed_a))

    def start(c, bs):
        qr, kr, vr, sq, sk, sv = bs[:6]
        pltpu.async_copy(q_hbm.at[idxd.at[c]], qr, sq)
        pltpu.async_copy(k_hbm.at[idxs.at[c]], kr, sk)
        pltpu.async_copy(v_hbm.at[idxs.at[c]], vr, sv)

    def wait(c, bs):
        qr, kr, vr, sq, sk, sv = bs[:6]
        pltpu.make_async_copy(q_hbm.at[idxd.at[c]], qr, sq).wait()
        pltpu.make_async_copy(k_hbm.at[idxs.at[c]], kr, sk).wait()
        pltpu.make_async_copy(v_hbm.at[idxs.at[c]], vr, sv).wait()

    def compute(c, bs):
        qr, kr, vr = bs[:3]
        pk = bs[6]

        @plsc.parallel_loop(0, B, unroll=4)
        def edge_body(e):
            a = qr[e, pl.ds(0, 16)] * kr[e, pl.ds(0, 16)]
            a = a + qr[e, pl.ds(16, 16)] * kr[e, pl.ds(16, 16)]
            a = a + qr[e, pl.ds(32, 16)] * kr[e, pl.ds(32, 16)]
            a = a + qr[e, pl.ds(48, 16)] * kr[e, pl.ds(48, 16)]
            s = jnp.sum(a) * 0.125
            wv = jnp.exp(jnp.broadcast_to(s, (16,)))
            pk[e, pl.ds(0, 16)] = vr[e, pl.ds(0, 16)] * wv
            pk[e, pl.ds(16, 16)] = vr[e, pl.ds(16, 16)] * wv
            pk[e, pl.ds(32, 16)] = vr[e, pl.ds(32, 16)] * wv
            pk[e, pl.ds(48, 16)] = vr[e, pl.ds(48, 16)] * wv
            pk[e, pl.ds(64, 16)] = jnp.where(lane0, wv, 0.0)

        pltpu.sync_copy(pk, accum.at[idxd.at[c]], add=True)

    for i in range(NDEEP - 1):
        start(i, bufs[i])

    def pipe_body(g, carry):
        c = NDEEP * g
        for i in range(NDEEP):
            ci = c + i
            cn = ci + NDEEP - 1
            wait(ci, bufs[i])
            if i == 0:
                start(cn, bufs[(i + NDEEP - 1) % NDEEP])
            else:
                @pl.when(cn < NCHUNK)
                def _(cn=cn, bn=bufs[(i + NDEEP - 1) % NDEEP]):
                    start(cn, bn)
            compute(ci, bufs[i])
        return carry

    lax.fori_loop(0, NCHUNK // NDEEP, pipe_body, 0)
    plsc.subcore_barrier()
    pltpu.sync_copy(accum.at[pl.ds(sid * RPT, RPT)],
                    out_hbm.at[cid, pl.ds(sid * RPT, RPT)])


@functools.cache
def _edge_call():
  return functools.partial(
    pl.kernel,
    out_type=jax.ShapeDtypeStruct((NC, NP, PW), jnp.float32),
    mesh=plsc.VectorSubcoreMesh(core_axis_name="c", subcore_axis_name="s",
                                num_cores=NC, num_subcores=NS),
    compiler_params=pltpu.CompilerParams(needs_layout_passes=False,
                                         use_tc_tiling_on_sc=False),
    scratch_types=[
        pltpu.VMEM((NCHUNK, B), jnp.int32),
        pltpu.VMEM((NCHUNK, B), jnp.int32),
        pltpu.VMEM((B, D), jnp.float32),
        pltpu.VMEM((B, D), jnp.float32),
        pltpu.VMEM((B, D), jnp.float32),
        pltpu.VMEM((B, D), jnp.float32),
        pltpu.VMEM((B, D), jnp.float32),
        pltpu.VMEM((B, D), jnp.float32),
        pltpu.VMEM((B, PW), jnp.float32),
        pltpu.VMEM_SHARED((NP, PW), jnp.float32),
        pltpu.SemaphoreType.DMA,
        pltpu.SemaphoreType.DMA,
        pltpu.SemaphoreType.DMA,
        pltpu.SemaphoreType.DMA,
        pltpu.SemaphoreType.DMA,
        pltpu.SemaphoreType.DMA,
    ],
  )(_edge_body)


def _final_body(acc_ref, skip_ref, gw, gb, gms, o_ref):
    a = acc_ref[0] + acc_ref[1]
    numer = a[:N, :D]
    denom = a[:N, D:D + 1]
    out = numer / (denom + 1e-16) + skip_ref[:N]
    mean = jnp.mean(out, axis=0, keepdims=True)
    o = out - gms[...] * mean
    var = jnp.mean(o * o, axis=0, keepdims=True)
    o = gw[...] * o / jnp.sqrt(var + 1e-5) + gb[...]
    xt = jnp.maximum(o, 0.0)
    mn = jnp.min(xt)
    mx = jnp.max(xt)
    o_ref[...] = (xt - mn) / (mx - mn + 1e-8)


def _final_call(acc, skip, gn_weight, gn_bias, gn_mean_scale):
    return pl.pallas_call(
        _final_body,
        out_shape=jax.ShapeDtypeStruct((N, D), jnp.float32),
    )(acc, skip, gn_weight.reshape(1, D), gn_bias.reshape(1, D),
      gn_mean_scale.reshape(1, D))


def kernel(x, edge_index, W_q, b_q, W_k, b_k, W_v, b_v, W_skip, b_skip,
           gn_weight, gn_bias, gn_mean_scale):
    xp = jnp.concatenate(
        [x, jnp.zeros((NP - N, D_IN), jnp.float32)], axis=0)
    q, k, v, skip = _qkv_call(xp, W_q, b_q, W_k, b_k, W_v, b_v,
                              W_skip, b_skip)

    src = edge_index[0].reshape(NW, EPW)
    dst = edge_index[1].reshape(NW, EPW)
    pad = jnp.full((NW, EPW_PAD - EPW), N, jnp.int32)
    srcp = jnp.concatenate([src, pad], axis=1).reshape(NW, NCHUNK, B)
    dstp = jnp.concatenate([dst, pad], axis=1).reshape(NW, NCHUNK, B)
    zeros = jnp.zeros((RPT, PW), jnp.float32)

    acc = _edge_call()(q, k, v, dstp, srcp, zeros)
    return _final_call(acc, skip, gn_weight, gn_bias, gn_mean_scale)

# --- scband reference (transcript-rebuilt; emitter-appended) ---
"""Pipeline reference for scband-dual-graph-learner-4191888081049 (READ-ONLY COPY).

The authoritative reference and input builder live on the scoring server;
editing this copy changes nothing except your own understanding.
"""

import jax, jax.numpy as jnp
import numpy as np

N = 10000
E = 320000
D_IN = 128
D_OUT = 64


def setup_inputs(seed: int = 0) -> dict:
    key = jax.random.key(seed)
    ks = jax.random.split(key, 10)
    x = jax.random.normal(ks[0], (N, D_IN), dtype=jnp.float32)
    edge_index = jax.random.randint(ks[1], (2, E), 0, N, dtype=jnp.int32)
    s = 1.0 / np.sqrt(D_IN)
    W_q = jax.random.normal(ks[2], (D_IN, D_OUT), dtype=jnp.float32) * s
    b_q = jnp.zeros((D_OUT,), dtype=jnp.float32)
    W_k = jax.random.normal(ks[3], (D_IN, D_OUT), dtype=jnp.float32) * s
    b_k = jnp.zeros((D_OUT,), dtype=jnp.float32)
    W_v = jax.random.normal(ks[4], (D_IN, D_OUT), dtype=jnp.float32) * s
    b_v = jnp.zeros((D_OUT,), dtype=jnp.float32)
    W_skip = jax.random.normal(ks[5], (D_IN, D_OUT), dtype=jnp.float32) * s
    b_skip = jnp.zeros((D_OUT,), dtype=jnp.float32)
    gn_weight = jnp.ones((D_OUT,), dtype=jnp.float32)
    gn_bias = jnp.zeros((D_OUT,), dtype=jnp.float32)
    gn_mean_scale = jnp.ones((D_OUT,), dtype=jnp.float32)
    return {
        'x': x, 'edge_index': edge_index,
        'W_q': W_q, 'b_q': b_q, 'W_k': W_k, 'b_k': b_k,
        'W_v': W_v, 'b_v': b_v, 'W_skip': W_skip, 'b_skip': b_skip,
        'gn_weight': gn_weight, 'gn_bias': gn_bias, 'gn_mean_scale': gn_mean_scale,
    }


def reference(x, edge_index, W_q, b_q, W_k, b_k, W_v, b_v, W_skip, b_skip, gn_weight, gn_bias, gn_mean_scale):
    # TransformerConv (heads=1, concat=True, beta=False, root_weight=True, eval mode so dropout is identity)
    src = edge_index[0]
    dst = edge_index[1]
    q = x @ W_q + b_q  # [N, C]
    k = x @ W_k + b_k
    v = x @ W_v + b_v
    C = q.shape[-1]
    # per-edge attention logits: (q_i * k_j).sum / sqrt(C)
    alpha = jnp.sum(q[dst] * k[src], axis=-1) / jnp.sqrt(jnp.float32(C))  # [E]
    # segment softmax over incoming edges of each dst node
    seg_max = jax.ops.segment_max(alpha, dst, num_segments=N)
    p = jnp.exp(alpha - seg_max[dst])
    denom = jax.ops.segment_sum(p, dst, num_segments=N)
    p = p / (denom[dst] + 1e-16)
    # weighted aggregation of values (scatter-add over dst)
    out = jax.ops.segment_sum(p[:, None] * v[src], dst, num_segments=N)  # [N, C]
    # root/skip connection
    out = out + (x @ W_skip + b_skip)
    # GraphNorm (single graph: batch = all zeros)
    mean = jnp.mean(out, axis=0, keepdims=True)
    o = out - gn_mean_scale[None, :] * mean
    var = jnp.mean(o * o, axis=0, keepdims=True)
    o = gn_weight[None, :] * o / jnp.sqrt(var + 1e-5) + gn_bias[None, :]
    # relu + global min-max normalization
    xt = jax.nn.relu(o)
    xt_min = jnp.min(xt)
    xt_max = jnp.max(xt)
    xt = (xt - xt_min) / (xt_max - xt_min + 1e-08)
    return xt

if __name__ == "__main__":
    import jax
    _d = setup_inputs()
    print(jax.jit(kernel)(*tuple(_d.values())))

</pallas_src>

<mosaic_0001>
#map = affine_map<(d0, d1) -> (0, 0)>
#map1 = affine_map<(d0, d1) -> (0, 0, 0)>
module attributes {stable_mosaic.version = 14 : i64} {
  func.func @_edge_body(%arg0: i32, %arg1: i32, %arg2: memref<10112x64xf32, #tpu.memory_space<hbm>>, %arg3: memref<10112x64xf32, #tpu.memory_space<hbm>>, %arg4: memref<10112x64xf32, #tpu.memory_space<hbm>>, %arg5: memref<32x80x128xi32, #tpu.memory_space<hbm>>, %arg6: memref<32x80x128xi32, #tpu.memory_space<hbm>>, %arg7: memref<632x80xf32, #tpu.memory_space<hbm>>, %arg8: memref<2x10112x80xf32, #tpu.memory_space<hbm>>, %arg9: memref<80x128xi32, #tpu.memory_space<vmem>>, %arg10: memref<80x128xi32, #tpu.memory_space<vmem>>, %arg11: memref<128x64xf32, #tpu.memory_space<vmem>>, %arg12: memref<128x64xf32, #tpu.memory_space<vmem>>, %arg13: memref<128x64xf32, #tpu.memory_space<vmem>>, %arg14: memref<128x64xf32, #tpu.memory_space<vmem>>, %arg15: memref<128x64xf32, #tpu.memory_space<vmem>>, %arg16: memref<128x64xf32, #tpu.memory_space<vmem>>, %arg17: memref<128x80xf32, #tpu.memory_space<vmem>>, %arg18: memref<10112x80xf32, #tpu.memory_space<vmem_shared>>, %arg19: memref<!tpu.dma_semaphore, #tpu.memory_space<semaphore_mem>>, %arg20: memref<!tpu.dma_semaphore, #tpu.memory_space<semaphore_mem>>, %arg21: memref<!tpu.dma_semaphore, #tpu.memory_space<semaphore_mem>>, %arg22: memref<!tpu.dma_semaphore, #tpu.memory_space<semaphore_mem>>, %arg23: memref<!tpu.dma_semaphore, #tpu.memory_space<semaphore_mem>>, %arg24: memref<!tpu.dma_semaphore, #tpu.memory_space<semaphore_mem>>) attributes {dimension_semantics = [#tpu.dimension_semantics<core_parallel>, #tpu.dimension_semantics<subcore_parallel>], iteration_bounds = array<i64: 2, 16>, scalar_prefetch = 0 : i64, scratch_operands = 16 : i64, tpu.core_type = #tpu.core_type<sc_vector_subcore>, window_params = [{transform_indices = #map}, {transform_indices = #map}, {transform_indices = #map}, {transform_indices = #map1}, {transform_indices = #map1}, {transform_indices = #map}, {transform_indices = #map1}]} {
    %mul3A = arith.constant 2 : i32
    %mul3A_0 = arith.muli %arg1, %mul3A : i32
    %add3A = arith.addi %mul3A_0, %arg0 : i32
    %mul3A_1 = arith.constant 632 : i32
    %mul3A_2 = arith.muli %arg1, %mul3A_1 : i32
    "tpu.region"() ({
      %run_scoped3A = tpu.sem_alloc : memref<!tpu.dma_semaphore, #tpu.memory_space<semaphore_mem>>
      %dma_start3A_35 = arith.constant 0 : i32
      %dma_start3A_36 = tpu.memref_slice %arg18[%mul3A_2, %dma_start3A_35] : memref<10112x80xf32, #tpu.memory_space<vmem_shared>> -> memref<632x80xf32, #tpu.memory_space<vmem_shared>>
      tpu.enqueue_dma source(%arg7 : memref<632x80xf32, #tpu.memory_space<hbm>>) target(%dma_start3A_36 : memref<632x80xf32, #tpu.memory_space<vmem_shared>>) target_semaphore(%run_scoped3A : memref<!tpu.dma_semaphore, #tpu.memory_space<semaphore_mem>>)
      %dma_wait3A = arith.constant 0 : i32
      %dma_wait3A_37 = tpu.memref_slice %arg18[%mul3A_2, %dma_wait3A] : memref<10112x80xf32, #tpu.memory_space<vmem_shared>> -> memref<632x80xf32, #tpu.memory_space<vmem_shared>>
      tpu.wait_dma2 semaphore(%run_scoped3A : memref<!tpu.dma_semaphore, #tpu.memory_space<semaphore_mem>>) src(%arg7 : memref<632x80xf32, #tpu.memory_space<hbm>>) dst(%dma_wait3A_37 : memref<632x80xf32, #tpu.memory_space<vmem_shared>>)
      tpu.yield
    }) : () -> ()
    "tpu.region"() ({
      %run_scoped3A = tpu.sem_alloc : memref<!tpu.dma_semaphore, #tpu.memory_space<semaphore_mem>>
      %dma_start3A_35 = arith.constant 0 : i32
      %dma_start3A_36 = arith.constant 0 : i32
      %dma_start3A_37 = tpu.memref_slice %arg5[%add3A, %dma_start3A_35, %dma_start3A_36] : memref<32x80x128xi32, #tpu.memory_space<hbm>> -> memref<1x80x128xi32, #tpu.memory_space<hbm>>
      %dma_start3A_38 = tpu.memref_squeeze %dma_start3A_37 : memref<1x80x128xi32, #tpu.memory_space<hbm>> -> memref<80x128xi32, #tpu.memory_space<hbm>>
      %dma_start3A_39 = arith.constant 0 : i32
      %dma_start3A_40 = arith.constant 0 : i32
      %dma_start3A_41 = tpu.memref_slice %arg5[%add3A, %dma_start3A_39, %dma_start3A_40] : memref<32x80x128xi32, #tpu.memory_space<hbm>> -> memref<1x80x128xi32, #tpu.memory_space<hbm>>
      %dma_start3A_42 = tpu.memref_squeeze %dma_start3A_41 : memref<1x80x128xi32, #tpu.memory_space<hbm>> -> memref<80x128xi32, #tpu.memory_space<hbm>>
      tpu.enqueue_dma source(%dma_start3A_42 : memref<80x128xi32, #tpu.memory_space<hbm>>) target(%arg9 : memref<80x128xi32, #tpu.memory_space<vmem>>) target_semaphore(%run_scoped3A : memref<!tpu.dma_semaphore, #tpu.memory_space<semaphore_mem>>)
      %dma_wait3A = arith.constant 0 : i32
      %dma_wait3A_43 = arith.constant 0 : i32
      %dma_wait3A_44 = tpu.memref_slice %arg5[%add3A, %dma_wait3A, %dma_wait3A_43] : memref<32x80x128xi32, #tpu.memory_space<hbm>> -> memref<1x80x128xi32, #tpu.memory_space<hbm>>
      %dma_wait3A_45 = tpu.memref_squeeze %dma_wait3A_44 : memref<1x80x128xi32, #tpu.memory_space<hbm>> -> memref<80x128xi32, #tpu.memory_space<hbm>>
      %dma_wait3A_46 = arith.constant 0 : i32
      %dma_wait3A_47 = arith.constant 0 : i32
      %dma_wait3A_48 = tpu.memref_slice %arg5[%add3A, %dma_wait3A_46, %dma_wait3A_47] : memref<32x80x128xi32, #tpu.memory_space<hbm>> -> memref<1x80x128xi32, #tpu.memory_space<hbm>>
      %dma_wait3A_49 = tpu.memref_squeeze %dma_wait3A_48 : memref<1x80x128xi32, #tpu.memory_space<hbm>> -> memref<80x128xi32, #tpu.memory_space<hbm>>
      tpu.wait_dma2 semaphore(%run_scoped3A : memref<!tpu.dma_semaphore, #tpu.memory_space<semaphore_mem>>) src(%dma_wait3A_49 : memref<80x128xi32, #tpu.memory_space<hbm>>) dst(%arg9 : memref<80x128xi32, #tpu.memory_space<vmem>>)
      tpu.yield
    }) : () -> ()
    "tpu.region"() ({
      %run_scoped3A = tpu.sem_alloc : memref<!tpu.dma_semaphore, #tpu.memory_space<semaphore_mem>>
      %dma_start3A_35 = arith.constant 0 : i32
      %dma_start3A_36 = arith.constant 0 : i32
      %dma_start3A_37 = tpu.memref_slice %arg6[%add3A, %dma_start3A_35, %dma_start3A_36] : memref<32x80x128xi32, #tpu.memory_space<hbm>> -> memref<1x80x128xi32, #tpu.memory_space<hbm>>
      %dma_start3A_38 = tpu.memref_squeeze %dma_start3A_37 : memref<1x80x128xi32, #tpu.memory_space<hbm>> -> memref<80x128xi32, #tpu.memory_space<hbm>>
      %dma_start3A_39 = arith.constant 0 : i32
      %dma_start3A_40 = arith.constant 0 : i32
      %dma_start3A_41 = tpu.memref_slice %arg6[%add3A, %dma_start3A_39, %dma_start3A_40] : memref<32x80x128xi32, #tpu.memory_space<hbm>> -> memref<1x80x128xi32, #tpu.memory_space<hbm>>
      %dma_start3A_42 = tpu.memref_squeeze %dma_start3A_41 : memref<1x80x128xi32, #tpu.memory_space<hbm>> -> memref<80x128xi32, #tpu.memory_space<hbm>>
      tpu.enqueue_dma source(%dma_start3A_42 : memref<80x128xi32, #tpu.memory_space<hbm>>) target(%arg10 : memref<80x128xi32, #tpu.memory_space<vmem>>) target_semaphore(%run_scoped3A : memref<!tpu.dma_semaphore, #tpu.memory_space<semaphore_mem>>)
      %dma_wait3A = arith.constant 0 : i32
      %dma_wait3A_43 = arith.constant 0 : i32
      %dma_wait3A_44 = tpu.memref_slice %arg6[%add3A, %dma_wait3A, %dma_wait3A_43] : memref<32x80x128xi32, #tpu.memory_space<hbm>> -> memref<1x80x128xi32, #tpu.memory_space<hbm>>
      %dma_wait3A_45 = tpu.memref_squeeze %dma_wait3A_44 : memref<1x80x128xi32, #tpu.memory_space<hbm>> -> memref<80x128xi32, #tpu.memory_space<hbm>>
      %dma_wait3A_46 = arith.constant 0 : i32
      %dma_wait3A_47 = arith.constant 0 : i32
      %dma_wait3A_48 = tpu.memref_slice %arg6[%add3A, %dma_wait3A_46, %dma_wait3A_47] : memref<32x80x128xi32, #tpu.memory_space<hbm>> -> memref<1x80x128xi32, #tpu.memory_space<hbm>>
      %dma_wait3A_49 = tpu.memref_squeeze %dma_wait3A_48 : memref<1x80x128xi32, #tpu.memory_space<hbm>> -> memref<80x128xi32, #tpu.memory_space<hbm>>
      tpu.wait_dma2 semaphore(%run_scoped3A : memref<!tpu.dma_semaphore, #tpu.memory_space<semaphore_mem>>) src(%dma_wait3A_49 : memref<80x128xi32, #tpu.memory_space<hbm>>) dst(%arg10 : memref<80x128xi32, #tpu.memory_space<vmem>>)
      tpu.yield
    }) : () -> ()
    %barrier3A = arith.constant 0 : index
    tpu.barrier barrier_id(%barrier3A)
    %iota3A = tpu.iota {dimensions = array<i32: 0>} : vector<16xi32>
    %eq3A = arith.constant 0 : i32
    %eq3A_3 = vector.broadcast %eq3A : i32 to vector<16xi32>
    %eq3A_4 = arith.cmpi eq, %iota3A, %eq3A_3 : vector<16xi32>
    %dma_start3A = arith.constant 0 : i32
    %dma_start3A_5 = arith.constant 0 : i32
    %dma_start3A_6 = tpu.memref_slice %arg9[%dma_start3A, %dma_start3A_5] : memref<80x128xi32, #tpu.memory_space<vmem>> -> memref<1x128xi32, #tpu.memory_space<vmem>>
    %dma_start3A_7 = tpu.memref_squeeze %dma_start3A_6 : memref<1x128xi32, #tpu.memory_space<vmem>> -> memref<128xi32, #tpu.memory_space<vmem>>
    %dma_start3A_8 = arith.constant 0 : i32
    %dma_start3A_9 = arith.constant 0 : i32
    %dma_start3A_10 = tpu.memref_slice %arg2[%dma_start3A_8, %dma_start3A_9] : memref<10112x64xf32, #tpu.memory_space<hbm>> -> memref<10112x64xf32, #tpu.memory_space<hbm>>
    tpu.enqueue_indirect_dma source(%dma_start3A_10 : memref<10112x64xf32, #tpu.memory_space<hbm>>) target(%arg11 : memref<128x64xf32, #tpu.memory_space<vmem>>) offsets(%dma_start3A_7 : memref<128xi32, #tpu.memory_space<vmem>>) semaphore(%arg19 : memref<!tpu.dma_semaphore, #tpu.memory_space<semaphore_mem>>)
    %dma_start3A_11 = arith.constant 0 : i32
    %dma_start3A_12 = arith.constant 0 : i32
    %dma_start3A_13 = tpu.memref_slice %arg10[%dma_start3A_11, %dma_start3A_12] : memref<80x128xi32, #tpu.memory_space<vmem>> -> memref<1x128xi32, #tpu.memory_space<vmem>>
    %dma_start3A_14 = tpu.memref_squeeze %dma_start3A_13 : memref<1x128xi32, #tpu.memory_space<vmem>> -> memref<128xi32, #tpu.memory_space<vmem>>
    %dma_start3A_15 = arith.constant 0 : i32
    %dma_start3A_16 = arith.constant 0 : i32
    %dma_start3A_17 = tpu.memref_slice %arg3[%dma_start3A_15, %dma_start3A_16] : memref<10112x64xf32, #tpu.memory_space<hbm>> -> memref<10112x64xf32, #tpu.memory_space<hbm>>
    tpu.enqueue_indirect_dma source(%dma_start3A_17 : memref<10112x64xf32, #tpu.memory_space<hbm>>) target(%arg12 : memref<128x64xf32, #tpu.memory_space<vmem>>) offsets(%dma_start3A_14 : memref<128xi32, #tpu.memory_space<vmem>>) semaphore(%arg20 : memref<!tpu.dma_semaphore, #tpu.memory_space<semaphore_mem>>)
    %dma_start3A_18 = arith.constant 0 : i32
    %dma_start3A_19 = arith.constant 0 : i32
    %dma_start3A_20 = tpu.memref_slice %arg10[%dma_start3A_18, %dma_start3A_19] : memref<80x128xi32, #tpu.memory_space<vmem>> -> memref<1x128xi32, #tpu.memory_space<vmem>>
    %dma_start3A_21 = tpu.memref_squeeze %dma_start3A_20 : memref<1x128xi32, #tpu.memory_space<vmem>> -> memref<128xi32, #tpu.memory_space<vmem>>
    %dma_start3A_22 = arith.constant 0 : i32
    %dma_start3A_23 = arith.constant 0 : i32
    %dma_start3A_24 = tpu.memref_slice %arg4[%dma_start3A_22, %dma_start3A_23] : memref<10112x64xf32, #tpu.memory_space<hbm>> -> memref<10112x64xf32, #tpu.memory_space<hbm>>
    tpu.enqueue_indirect_dma source(%dma_start3A_24 : memref<10112x64xf32, #tpu.memory_space<hbm>>) target(%arg13 : memref<128x64xf32, #tpu.memory_space<vmem>>) offsets(%dma_start3A_21 : memref<128xi32, #tpu.memory_space<vmem>>) semaphore(%arg21 : memref<!tpu.dma_semaphore, #tpu.memory_space<semaphore_mem>>)
    %scan3A = arith.constant 0 : i32
    %scan3A_25 = arith.constant 0 : i32
    %scan3A_26 = arith.constant 40 : i32
    %scan3A_27 = arith.addi %scan3A_25, %scan3A_26 : i32
    %scan3A_28 = arith.constant 1 : i32
    scf.for %scan3A_35 = %scan3A_25 to %scan3A_27 step %scan3A_28  : i32 {
      %mul3A_36 = arith.constant 2 : i32
      %mul3A_37 = arith.muli %mul3A_36, %scan3A_35 : i32
      %add3A_38 = arith.constant 0 : i32
      %add3A_39 = arith.addi %mul3A_37, %add3A_38 : i32
      %add3A_40 = arith.constant 2 : i32
      %add3A_41 = arith.addi %add3A_39, %add3A_40 : i32
      %sub3A = arith.constant 1 : i32
      %sub3A_42 = arith.subi %add3A_41, %sub3A : i32
      %dma_wait3A = arith.constant 0 : i32
      %dma_wait3A_43 = tpu.memref_slice %arg9[%add3A_39, %dma_wait3A] : memref<80x128xi32, #tpu.memory_space<vmem>> -> memref<1x128xi32, #tpu.memory_space<vmem>>
      %dma_wait3A_44 = tpu.memref_squeeze %dma_wait3A_43 : memref<1x128xi32, #tpu.memory_space<vmem>> -> memref<128xi32, #tpu.memory_space<vmem>>
      %dma_wait3A_45 = arith.constant 0 : i32
      %dma_wait3A_46 = arith.constant 0 : i32
      %dma_wait3A_47 = tpu.memref_slice %arg2[%dma_wait3A_45, %dma_wait3A_46] : memref<10112x64xf32, #tpu.memory_space<hbm>> -> memref<10112x64xf32, #tpu.memory_space<hbm>>
      tpu.wait_indirect_dma semaphore(%arg19 : memref<!tpu.dma_semaphore, #tpu.memory_space<semaphore_mem>>) src(%dma_wait3A_47 : memref<10112x64xf32, #tpu.memory_space<hbm>>) dst(%arg11 : memref<128x64xf32, #tpu.memory_space<vmem>>)
      %dma_wait3A_48 = arith.constant 0 : i32
      %dma_wait3A_49 = tpu.memref_slice %arg10[%add3A_39, %dma_wait3A_48] : memref<80x128xi32, #tpu.memory_space<vmem>> -> memref<1x128xi32, #tpu.memory_space<vmem>>
      %dma_wait3A_50 = tpu.memref_squeeze %dma_wait3A_49 : memref<1x128xi32, #tpu.memory_space<vmem>> -> memref<128xi32, #tpu.memory_space<vmem>>
      %dma_wait3A_51 = arith.constant 0 : i32
      %dma_wait3A_52 = arith.constant 0 : i32
      %dma_wait3A_53 = tpu.memref_slice %arg3[%dma_wait3A_51, %dma_wait3A_52] : memref<10112x64xf32, #tpu.memory_space<hbm>> -> memref<10112x64xf32, #tpu.memory_space<hbm>>
      tpu.wait_indirect_dma semaphore(%arg20 : memref<!tpu.dma_semaphore, #tpu.memory_space<semaphore_mem>>) src(%dma_wait3A_53 : memref<10112x64xf32, #tpu.memory_space<hbm>>) dst(%arg12 : memref<128x64xf32, #tpu.memory_space<vmem>>)
      %dma_wait3A_54 = arith.constant 0 : i32
      %dma_wait3A_55 = tpu.memref_slice %arg10[%add3A_39, %dma_wait3A_54] : memref<80x128xi32, #tpu.memory_space<vmem>> -> memref<1x128xi32, #tpu.memory_space<vmem>>
      %dma_wait3A_56 = tpu.memref_squeeze %dma_wait3A_55 : memref<1x128xi32, #tpu.memory_space<vmem>> -> memref<128xi32, #tpu.memory_space<vmem>>
      %dma_wait3A_57 = arith.constant 0 : i32
      %dma_wait3A_58 = arith.constant 0 : i32
      %dma_wait3A_59 = tpu.memref_slice %arg4[%dma_wait3A_57, %dma_wait3A_58] : memref<10112x64xf32, #tpu.memory_space<hbm>> -> memref<10112x64xf32, #tpu.memory_space<hbm>>
      tpu.wait_indirect_dma semaphore(%arg21 : memref<!tpu.dma_semaphore, #tpu.memory_space<semaphore_mem>>) src(%dma_wait3A_59 : memref<10112x64xf32, #tpu.memory_space<hbm>>) dst(%arg13 : memref<128x64xf32, #tpu.memory_space<vmem>>)
      %dma_start3A_60 = arith.constant 0 : i32
      %dma_start3A_61 = tpu.memref_slice %arg9[%sub3A_42, %dma_start3A_60] : memref<80x128xi32, #tpu.memory_space<vmem>> -> memref<1x128xi32, #tpu.memory_space<vmem>>
      %dma_start3A_62 = tpu.memref_squeeze %dma_start3A_61 : memref<1x128xi32, #tpu.memory_space<vmem>> -> memref<128xi32, #tpu.memory_space<vmem>>
      %dma_start3A_63 = arith.constant 0 : i32
      %dma_start3A_64 = arith.constant 0 : i32
      %dma_start3A_65 = tpu.memref_slice %arg2[%dma_start3A_63, %dma_start3A_64] : memref<10112x64xf32, #tpu.memory_space<hbm>> -> memref<10112x64xf32, #tpu.memory_space<hbm>>
      tpu.enqueue_indirect_dma source(%dma_start3A_65 : memref<10112x64xf32, #tpu.memory_space<hbm>>) target(%arg14 : memref<128x64xf32, #tpu.memory_space<vmem>>) offsets(%dma_start3A_62 : memref<128xi32, #tpu.memory_space<vmem>>) semaphore(%arg22 : memref<!tpu.dma_semaphore, #tpu.memory_space<semaphore_mem>>)
      %dma_start3A_66 = arith.constant 0 : i32
      %dma_start3A_67 = tpu.memref_slice %arg10[%sub3A_42, %dma_start3A_66] : memref<80x128xi32, #tpu.memory_space<vmem>> -> memref<1x128xi32, #tpu.memory_space<vmem>>
      %dma_start3A_68 = tpu.memref_squeeze %dma_start3A_67 : memref<1x128xi32, #tpu.memory_space<vmem>> -> memref<128xi32, #tpu.memory_space<vmem>>
      %dma_start3A_69 = arith.constant 0 : i32
      %dma_start3A_70 = arith.constant 0 : i32
      %dma_start3A_71 = tpu.memref_slice %arg3[%dma_start3A_69, %dma_start3A_70] : memref<10112x64xf32, #tpu.memory_space<hbm>> -> memref<10112x64xf32, #tpu.memory_space<hbm>>
      tpu.enqueue_indirect_dma source(%dma_start3A_71 : memref<10112x64xf32, #tpu.memory_space<hbm>>) target(%arg15 : memref<128x64xf32, #tpu.memory_space<vmem>>) offsets(%dma_start3A_68 : memref<128xi32, #tpu.memory_space<vmem>>) semaphore(%arg23 : memref<!tpu.dma_semaphore, #tpu.memory_space<semaphore_mem>>)
      %dma_start3A_72 = arith.constant 0 : i32
      %dma_start3A_73 = tpu.memref_slice %arg10[%sub3A_42, %dma_start3A_72] : memref<80x128xi32, #tpu.memory_space<vmem>> -> memref<1x128xi32, #tpu.memory_space<vmem>>
      %dma_start3A_74 = tpu.memref_squeeze %dma_start3A_73 : memref<1x128xi32, #tpu.memory_space<vmem>> -> memref<128xi32, #tpu.memory_space<vmem>>
      %dma_start3A_75 = arith.constant 0 : i32
      %dma_start3A_76 = arith.constant 0 : i32
      %dma_start3A_77 = tpu.memref_slice %arg4[%dma_start3A_75, %dma_start3A_76] : memref<10112x64xf32, #tpu.memory_space<hbm>> -> memref<10112x64xf32, #tpu.memory_space<hbm>>
      tpu.enqueue_indirect_dma source(%dma_start3A_77 : memref<10112x64xf32, #tpu.memory_space<hbm>>) target(%arg16 : memref<128x64xf32, #tpu.memory_space<vmem>>) offsets(%dma_start3A_74 : memref<128xi32, #tpu.memory_space<vmem>>) semaphore(%arg24 : memref<!tpu.dma_semaphore, #tpu.memory_space<semaphore_mem>>)
      %parallel_loop3A = arith.constant 0 : i32
      %parallel_loop3A_78 = arith.constant 128 : i32
      %parallel_loop3A_79 = arith.constant 1 : i32
      scf.for %parallel_loop3A_109 = %parallel_loop3A to %parallel_loop3A_78 step %parallel_loop3A_79  : i32 {
        %parallel_loop3A_110 = arith.index_cast %parallel_loop3A_109 : i32 to index
        %parallel_loop3A_111 = arith.constant 0 : index
        %parallel_loop3A_112 = tpu.vector_load %arg11[%parallel_loop3A_110, %parallel_loop3A_111] {strides = array<i32>} : memref<128x64xf32, #tpu.memory_space<vmem>>, vector<16xf32>,
        %parallel_loop3A_113 = arith.index_cast %parallel_loop3A_109 : i32 to index
        %parallel_loop3A_114 = arith.constant 0 : index
        %parallel_loop3A_115 = tpu.vector_load %arg12[%parallel_loop3A_113, %parallel_loop3A_114] {strides = array<i32>} : memref<128x64xf32, #tpu.memory_space<vmem>>, vector<16xf32>,
        %parallel_loop3A_116 = arith.mulf %parallel_loop3A_112, %parallel_loop3A_115 : vector<16xf32>
        %parallel_loop3A_117 = arith.index_cast %parallel_loop3A_109 : i32 to index
        %parallel_loop3A_118 = arith.constant 16 : index
        %parallel_loop3A_119 = tpu.vector_load %arg11[%parallel_loop3A_117, %parallel_loop3A_118] {strides = array<i32>} : memref<128x64xf32, #tpu.memory_space<vmem>>, vector<16xf32>,
        %parallel_loop3A_120 = arith.index_cast %parallel_loop3A_109 : i32 to index
        %parallel_loop3A_121 = arith.constant 16 : index
        %parallel_loop3A_122 = tpu.vector_load %arg12[%parallel_loop3A_120, %parallel_loop3A_121] {strides = array<i32>} : memref<128x64xf32, #tpu.memory_space<vmem>>, vector<16xf32>,
        %parallel_loop3A_123 = arith.mulf %parallel_loop3A_119, %parallel_loop3A_122 : vector<16xf32>
        %parallel_loop3A_124 = arith.addf %parallel_loop3A_116, %parallel_loop3A_123 : vector<16xf32>
        %parallel_loop3A_125 = arith.index_cast %parallel_loop3A_109 : i32 to index
        %parallel_loop3A_126 = arith.constant 32 : index
        %parallel_loop3A_127 = tpu.vector_load %arg11[%parallel_loop3A_125, %parallel_loop3A_126] {strides = array<i32>} : memref<128x64xf32, #tpu.memory_space<vmem>>, vector<16xf32>,
        %parallel_loop3A_128 = arith.index_cast %parallel_loop3A_109 : i32 to index
        %parallel_loop3A_129 = arith.constant 32 : index
        %parallel_loop3A_130 = tpu.vector_load %arg12[%parallel_loop3A_128, %parallel_loop3A_129] {strides = array<i32>} : memref<128x64xf32, #tpu.memory_space<vmem>>, vector<16xf32>,
        %parallel_loop3A_131 = arith.mulf %parallel_loop3A_127, %parallel_loop3A_130 : vector<16xf32>
        %parallel_loop3A_132 = arith.addf %parallel_loop3A_124, %parallel_loop3A_131 : vector<16xf32>
        %parallel_loop3A_133 = arith.index_cast %parallel_loop3A_109 : i32 to index
        %parallel_loop3A_134 = arith.constant 48 : index
        %parallel_loop3A_135 = tpu.vector_load %arg11[%parallel_loop3A_133, %parallel_loop3A_134] {strides = array<i32>} : memref<128x64xf32, #tpu.memory_space<vmem>>, vector<16xf32>,
        %parallel_loop3A_136 = arith.index_cast %parallel_loop3A_109 : i32 to index
        %parallel_loop3A_137 = arith.constant 48 : index
        %parallel_loop3A_138 = tpu.vector_load %arg12[%parallel_loop3A_136, %parallel_loop3A_137] {strides = array<i32>} : memref<128x64xf32, #tpu.memory_space<vmem>>, vector<16xf32>,
        %parallel_loop3A_139 = arith.mulf %parallel_loop3A_135, %parallel_loop3A_138 : vector<16xf32>
        %parallel_loop3A_140 = arith.addf %parallel_loop3A_132, %parallel_loop3A_139 : vector<16xf32>
        %parallel_loop3A_141 = arith.constant true
        %parallel_loop3A_142 = vector.broadcast %parallel_loop3A_141 : i1 to vector<16xi1>
        %parallel_loop3A_143 = tpu.scan <sum>, %parallel_loop3A_140 masked %parallel_loop3A_142 : vector<16xf32>, vector<16xi1> -> vector<16xf32>
        %parallel_loop3A_144 = vector.extract %parallel_loop3A_143[15] : f32 from vector<16xf32>
        %parallel_loop3A_145 = arith.constant 1.250000e-01 : f32
        %parallel_loop3A_146 = arith.mulf %parallel_loop3A_144, %parallel_loop3A_145 : f32
        %parallel_loop3A_147 = vector.broadcast %parallel_loop3A_146 : f32 to vector<16xf32>
        %parallel_loop3A_148 = math.exp %parallel_loop3A_147 : vector<16xf32>
        %parallel_loop3A_149 = arith.index_cast %parallel_loop3A_109 : i32 to index
        %parallel_loop3A_150 = arith.constant 0 : index
        %parallel_loop3A_151 = tpu.vector_load %arg13[%parallel_loop3A_149, %parallel_loop3A_150] {strides = array<i32>} : memref<128x64xf32, #tpu.memory_space<vmem>>, vector<16xf32>,
        %parallel_loop3A_152 = arith.mulf %parallel_loop3A_151, %parallel_loop3A_148 : vector<16xf32>
        %parallel_loop3A_153 = arith.index_cast %parallel_loop3A_109 : i32 to index
        %parallel_loop3A_154 = arith.constant 0 : index
        %parallel_loop3A_155 = tpu.vector_load %arg17[%parallel_loop3A_153, %parallel_loop3A_154] {strides = array<i32>} : memref<128x80xf32, #tpu.memory_space<vmem>>, vector<16xf32>,
        tpu.vector_store %arg17[%parallel_loop3A_153, %parallel_loop3A_154], %parallel_loop3A_152 {strides = array<i32>} : memref<128x80xf32, #tpu.memory_space<vmem>>, vector<16xf32>,
        %parallel_loop3A_156 = arith.index_cast %parallel_loop3A_109 : i32 to index
        %parallel_loop3A_157 = arith.constant 16 : index
        %parallel_loop3A_158 = tpu.vector_load %arg13[%parallel_loop3A_156, %parallel_loop3A_157] {strides = array<i32>} : memref<128x64xf32, #tpu.memory_space<vmem>>, vector<16xf32>,
        %parallel_loop3A_159 = arith.mulf %parallel_loop3A_158, %parallel_loop3A_148 : vector<16xf32>
        %parallel_loop3A_160 = arith.index_cast %parallel_loop3A_109 : i32 to index
        %parallel_loop3A_161 = arith.constant 16 : index
        %parallel_loop3A_162 = tpu.vector_load %arg17[%parallel_loop3A_160, %parallel_loop3A_161] {strides = array<i32>} : memref<128x80xf32, #tpu.memory_space<vmem>>, vector<16xf32>,
        tpu.vector_store %arg17[%parallel_loop3A_160, %parallel_loop3A_161], %parallel_loop3A_159 {strides = array<i32>} : memref<128x80xf32, #tpu.memory_space<vmem>>, vector<16xf32>,
        %parallel_loop3A_163 = arith.index_cast %parallel_loop3A_109 : i32 to index
        %parallel_loop3A_164 = arith.constant 32 : index
        %parallel_loop3A_165 = tpu.vector_load %arg13[%parallel_loop3A_163, %parallel_loop3A_164] {strides = array<i32>} : memref<128x64xf32, #tpu.memory_space<vmem>>, vector<16xf32>,
        %parallel_loop3A_166 = arith.mulf %parallel_loop3A_165, %parallel_loop3A_148 : vector<16xf32>
        %parallel_loop3A_167 = arith.index_cast %parallel_loop3A_109 : i32 to index
        %parallel_loop3A_168 = arith.constant 32 : index
        %parallel_loop3A_169 = tpu.vector_load %arg17[%parallel_loop3A_167, %parallel_loop3A_168] {strides = array<i32>} : memref<128x80xf32, #tpu.memory_space<vmem>>, vector<16xf32>,
        tpu.vector_store %arg17[%parallel_loop3A_167, %parallel_loop3A_168], %parallel_loop3A_166 {strides = array<i32>} : memref<128x80xf32, #tpu.memory_space<vmem>>, vector<16xf32>,
        %parallel_loop3A_170 = arith.index_cast %parallel_loop3A_109 : i32 to index
        %parallel_loop3A_171 = arith.constant 48 : index
        %parallel_loop3A_172 = tpu.vector_load %arg13[%parallel_loop3A_170, %parallel_loop3A_171] {strides = array<i32>} : memref<128x64xf32, #tpu.memory_space<vmem>>, vector<16xf32>,
        %parallel_loop3A_173 = arith.mulf %parallel_loop3A_172, %parallel_loop3A_148 : vector<16xf32>
        %parallel_loop3A_174 = arith.index_cast %parallel_loop3A_109 : i32 to index
        %parallel_loop3A_175 = arith.constant 48 : index
        %parallel_loop3A_176 = tpu.vector_load %arg17[%parallel_loop3A_174, %parallel_loop3A_175] {strides = array<i32>} : memref<128x80xf32, #tpu.memory_space<vmem>>, vector<16xf32>,
        tpu.vector_store %arg17[%parallel_loop3A_174, %parallel_loop3A_175], %parallel_loop3A_173 {strides = array<i32>} : memref<128x80xf32, #tpu.memory_space<vmem>>, vector<16xf32>,
        %parallel_loop3A_177 = arith.constant 0.000000e+00 : f32
        %parallel_loop3A_178 = vector.broadcast %parallel_loop3A_177 : f32 to vector<16xf32>
        %parallel_loop3A_179 = arith.select %eq3A_4, %parallel_loop3A_148, %parallel_loop3A_178 : vector<16xi1>, vector<16xf32>
        %parallel_loop3A_180 = arith.index_cast %parallel_loop3A_109 : i32 to index
        %parallel_loop3A_181 = arith.constant 64 : index
        %parallel_loop3A_182 = tpu.vector_load %arg17[%parallel_loop3A_180, %parallel_loop3A_181] {strides = array<i32>} : memref<128x80xf32, #tpu.memory_space<vmem>>, vector<16xf32>,
        tpu.vector_store %arg17[%parallel_loop3A_180, %parallel_loop3A_181], %parallel_loop3A_179 {strides = array<i32>} : memref<128x80xf32, #tpu.memory_space<vmem>>, vector<16xf32>,
      } {sc.loop_unroll_factor = 4 : i64, sc.parallel_access}
      "tpu.region"() ({
        %run_scoped3A = tpu.sem_alloc : memref<!tpu.dma_semaphore, #tpu.memory_space<semaphore_mem>>
        %dma_start3A_109 = arith.constant 0 : i32
        %dma_start3A_110 = tpu.memref_slice %arg9[%add3A_39, %dma_start3A_109] : memref<80x128xi32, #tpu.memory_space<vmem>> -> memref<1x128xi32, #tpu.memory_space<vmem>>
        %dma_start3A_111 = tpu.memref_squeeze %dma_start3A_110 : memref<1x128xi32, #tpu.memory_space<vmem>> -> memref<128xi32, #tpu.memory_space<vmem>>
        %dma_start3A_112 = arith.constant 0 : i32
        %dma_start3A_113 = arith.constant 0 : i32
        %dma_start3A_114 = tpu.memref_slice %arg18[%dma_start3A_112, %dma_start3A_113] : memref<10112x80xf32, #tpu.memory_space<vmem_shared>> -> memref<10112x80xf32, #tpu.memory_space<vmem_shared>>
        tpu.enqueue_indirect_dma source(%arg17 : memref<128x80xf32, #tpu.memory_space<vmem>>) target(%dma_start3A_114 : memref<10112x80xf32, #tpu.memory_space<vmem_shared>>) offsets(%dma_start3A_111 : memref<128xi32, #tpu.memory_space<vmem>>) semaphore(%run_scoped3A : memref<!tpu.dma_semaphore, #tpu.memory_space<semaphore_mem>>) {add = true}
        %dma_wait3A_115 = arith.constant 0 : i32
        %dma_wait3A_116 = tpu.memref_slice %arg9[%add3A_39, %dma_wait3A_115] : memref<80x128xi32, #tpu.memory_space<vmem>> -> memref<1x128xi32, #tpu.memory_space<vmem>>
        %dma_wait3A_117 = tpu.memref_squeeze %dma_wait3A_116 : memref<1x128xi32, #tpu.memory_space<vmem>> -> memref<128xi32, #tpu.memory_space<vmem>>
        %dma_wait3A_118 = arith.constant 0 : i32
        %dma_wait3A_119 = arith.constant 0 : i32
        %dma_wait3A_120 = tpu.memref_slice %arg18[%dma_wait3A_118, %dma_wait3A_119] : memref<10112x80xf32, #tpu.memory_space<vmem_shared>> -> memref<10112x80xf32, #tpu.memory_space<vmem_shared>>
        tpu.wait_indirect_dma semaphore(%run_scoped3A : memref<!tpu.dma_semaphore, #tpu.memory_space<semaphore_mem>>) src(%arg17 : memref<128x80xf32, #tpu.memory_space<vmem>>) dst(%dma_wait3A_120 : memref<10112x80xf32, #tpu.memory_space<vmem_shared>>)
        tpu.yield
      }) : () -> ()
      %add3A_80 = arith.constant 1 : i32
      %add3A_81 = arith.addi %mul3A_37, %add3A_80 : i32
      %add3A_82 = arith.constant 2 : i32
      %add3A_83 = arith.addi %add3A_81, %add3A_82 : i32
      %sub3A_84 = arith.constant 1 : i32
      %sub3A_85 = arith.subi %add3A_83, %sub3A_84 : i32
      %dma_wait3A_86 = arith.constant 0 : i32
      %dma_wait3A_87 = tpu.memref_slice %arg9[%add3A_81, %dma_wait3A_86] : memref<80x128xi32, #tpu.memory_space<vmem>> -> memref<1x128xi32, #tpu.memory_space<vmem>>
      %dma_wait3A_88 = tpu.memref_squeeze %dma_wait3A_87 : memref<1x128xi32, #tpu.memory_space<vmem>> -> memref<128xi32, #tpu.memory_space<vmem>>
      %dma_wait3A_89 = arith.constant 0 : i32
      %dma_wait3A_90 = arith.constant 0 : i32
      %dma_wait3A_91 = tpu.memref_slice %arg2[%dma_wait3A_89, %dma_wait3A_90] : memref<10112x64xf32, #tpu.memory_space<hbm>> -> memref<10112x64xf32, #tpu.memory_space<hbm>>
      tpu.wait_indirect_dma semaphore(%arg22 : memref<!tpu.dma_semaphore, #tpu.memory_space<semaphore_mem>>) src(%dma_wait3A_91 : memref<10112x64xf32, #tpu.memory_space<hbm>>) dst(%arg14 : memref<128x64xf32, #tpu.memory_space<vmem>>)
      %dma_wait3A_92 = arith.constant 0 : i32
      %dma_wait3A_93 = tpu.memref_slice %arg10[%add3A_81, %dma_wait3A_92] : memref<80x128xi32, #tpu.memory_space<vmem>> -> memref<1x128xi32, #tpu.memory_space<vmem>>
      %dma_wait3A_94 = tpu.memref_squeeze %dma_wait3A_93 : memref<1x128xi32, #tpu.memory_space<vmem>> -> memref<128xi32, #tpu.memory_space<vmem>>
      %dma_wait3A_95 = arith.constant 0 : i32
      %dma_wait3A_96 = arith.constant 0 : i32
      %dma_wait3A_97 = tpu.memref_slice %arg3[%dma_wait3A_95, %dma_wait3A_96] : memref<10112x64xf32, #tpu.memory_space<hbm>> -> memref<10112x64xf32, #tpu.memory_space<hbm>>
      tpu.wait_indirect_dma semaphore(%arg23 : memref<!tpu.dma_semaphore, #tpu.memory_space<semaphore_mem>>) src(%dma_wait3A_97 : memref<10112x64xf32, #tpu.memory_space<hbm>>) dst(%arg15 : memref<128x64xf32, #tpu.memory_space<vmem>>)
      %dma_wait3A_98 = arith.constant 0 : i32
      %dma_wait3A_99 = tpu.memref_slice %arg10[%add3A_81, %dma_wait3A_98] : memref<80x128xi32, #tpu.memory_space<vmem>> -> memref<1x128xi32, #tpu.memory_space<vmem>>
      %dma_wait3A_100 = tpu.memref_squeeze %dma_wait3A_99 : memref<1x128xi32, #tpu.memory_space<vmem>> -> memref<128xi32, #tpu.memory_space<vmem>>
      %dma_wait3A_101 = arith.constant 0 : i32
      %dma_wait3A_102 = arith.constant 0 : i32
      %dma_wait3A_103 = tpu.memref_slice %arg4[%dma_wait3A_101, %dma_wait3A_102] : memref<10112x64xf32, #tpu.memory_space<hbm>> -> memref<10112x64xf32, #tpu.memory_space<hbm>>
      tpu.wait_indirect_dma semaphore(%arg24 : memref<!tpu.dma_semaphore, #tpu.memory_space<semaphore_mem>>) src(%dma_wait3A_103 : memref<10112x64xf32, #tpu.memory_space<hbm>>) dst(%arg16 : memref<128x64xf32, #tpu.memory_space<vmem>>)
      %lt3A = arith.constant 80 : i32
      %lt3A_104 = arith.cmpi slt, %sub3A_85, %lt3A : i32
      %convert_element_type3A = arith.extui %lt3A_104 : i1 to i32
      %cond3A = arith.constant 0 : i32
      %cond3A_105 = arith.cmpi ne, %convert_element_type3A, %cond3A : i32
      scf.if %cond3A_105 {
        %dma_start3A_109 = arith.constant 0 : i32
        %dma_start3A_110 = tpu.memref_slice %arg9[%sub3A_85, %dma_start3A_109] : memref<80x128xi32, #tpu.memory_space<vmem>> -> memref<1x128xi32, #tpu.memory_space<vmem>>
        %dma_start3A_111 = tpu.memref_squeeze %dma_start3A_110 : memref<1x128xi32, #tpu.memory_space<vmem>> -> memref<128xi32, #tpu.memory_space<vmem>>
        %dma_start3A_112 = arith.constant 0 : i32
        %dma_start3A_113 = arith.constant 0 : i32
        %dma_start3A_114 = tpu.memref_slice %arg2[%dma_start3A_112, %dma_start3A_113] : memref<10112x64xf32, #tpu.memory_space<hbm>> -> memref<10112x64xf32, #tpu.memory_space<hbm>>
        tpu.enqueue_indirect_dma source(%dma_start3A_114 : memref<10112x64xf32, #tpu.memory_space<hbm>>) target(%arg11 : memref<128x64xf32, #tpu.memory_space<vmem>>) offsets(%dma_start3A_111 : memref<128xi32, #tpu.memory_space<vmem>>) semaphore(%arg19 : memref<!tpu.dma_semaphore, #tpu.memory_space<semaphore_mem>>)
        %dma_start3A_115 = arith.constant 0 : i32
        %dma_start3A_116 = tpu.memref_slice %arg10[%sub3A_85, %dma_start3A_115] : memref<80x128xi32, #tpu.memory_space<vmem>> -> memref<1x128xi32, #tpu.memory_space<vmem>>
        %dma_start3A_117 = tpu.memref_squeeze %dma_start3A_116 : memref<1x128xi32, #tpu.memory_space<vmem>> -> memref<128xi32, #tpu.memory_space<vmem>>
        %dma_start3A_118 = arith.constant 0 : i32
        %dma_start3A_119 = arith.constant 0 : i32
        %dma_start3A_120 = tpu.memref_slice %arg3[%dma_start3A_118, %dma_start3A_119] : memref<10112x64xf32, #tpu.memory_space<hbm>> -> memref<10112x64xf32, #tpu.memory_space<hbm>>
        tpu.enqueue_indirect_dma source(%dma_start3A_120 : memref<10112x64xf32, #tpu.memory_space<hbm>>) target(%arg12 : memref<128x64xf32, #tpu.memory_space<vmem>>) offsets(%dma_start3A_117 : memref<128xi32, #tpu.memory_space<vmem>>) semaphore(%arg20 : memref<!tpu.dma_semaphore, #tpu.memory_space<semaphore_mem>>)
        %dma_start3A_121 = arith.constant 0 : i32
        %dma_start3A_122 = tpu.memref_slice %arg10[%sub3A_85, %dma_start3A_121] : memref<80x128xi32, #tpu.memory_space<vmem>> -> memref<1x128xi32, #tpu.memory_space<vmem>>
        %dma_start3A_123 = tpu.memref_squeeze %dma_start3A_122 : memref<1x128xi32, #tpu.memory_space<vmem>> -> memref<128xi32, #tpu.memory_space<vmem>>
        %dma_start3A_124 = arith.constant 0 : i32
        %dma_start3A_125 = arith.constant 0 : i32
        %dma_start3A_126 = tpu.memref_slice %arg4[%dma_start3A_124, %dma_start3A_125] : memref<10112x64xf32, #tpu.memory_space<hbm>> -> memref<10112x64xf32, #tpu.memory_space<hbm>>
        tpu.enqueue_indirect_dma source(%dma_start3A_126 : memref<10112x64xf32, #tpu.memory_space<hbm>>) target(%arg13 : memref<128x64xf32, #tpu.memory_space<vmem>>) offsets(%dma_start3A_123 : memref<128xi32, #tpu.memory_space<vmem>>) semaphore(%arg21 : memref<!tpu.dma_semaphore, #tpu.memory_space<semaphore_mem>>)
      } else {
      }
      %parallel_loop3A_106 = arith.constant 0 : i32
      %parallel_loop3A_107 = arith.constant 128 : i32
      %parallel_loop3A_108 = arith.constant 1 : i32
      scf.for %parallel_loop3A_109 = %parallel_loop3A_106 to %parallel_loop3A_107 step %parallel_loop3A_108  : i32 {
        %parallel_loop3A_110 = arith.index_cast %parallel_loop3A_109 : i32 to index
        %parallel_loop3A_111 = arith.constant 0 : index
        %parallel_loop3A_112 = tpu.vector_load %arg14[%parallel_loop3A_110, %parallel_loop3A_111] {strides = array<i32>} : memref<128x64xf32, #tpu.memory_space<vmem>>, vector<16xf32>,
        %parallel_loop3A_113 = arith.index_cast %parallel_loop3A_109 : i32 to index
        %parallel_loop3A_114 = arith.constant 0 : index
        %parallel_loop3A_115 = tpu.vector_load %arg15[%parallel_loop3A_113, %parallel_loop3A_114] {strides = array<i32>} : memref<128x64xf32, #tpu.memory_space<vmem>>, vector<16xf32>,
        %parallel_loop3A_116 = arith.mulf %parallel_loop3A_112, %parallel_loop3A_115 : vector<16xf32>
        %parallel_loop3A_117 = arith.index_cast %parallel_loop3A_109 : i32 to index
        %parallel_loop3A_118 = arith.constant 16 : index
        %parallel_loop3A_119 = tpu.vector_load %arg14[%parallel_loop3A_117, %parallel_loop3A_118] {strides = array<i32>} : memref<128x64xf32, #tpu.memory_space<vmem>>, vector<16xf32>,
        %parallel_loop3A_120 = arith.index_cast %parallel_loop3A_109 : i32 to index
        %parallel_loop3A_121 = arith.constant 16 : index
        %parallel_loop3A_122 = tpu.vector_load %arg15[%parallel_loop3A_120, %parallel_loop3A_121] {strides = array<i32>} : memref<128x64xf32, #tpu.memory_space<vmem>>, vector<16xf32>,
        %parallel_loop3A_123 = arith.mulf %parallel_loop3A_119, %parallel_loop3A_122 : vector<16xf32>
        %parallel_loop3A_124 = arith.addf %parallel_loop3A_116, %parallel_loop3A_123 : vector<16xf32>
        %parallel_loop3A_125 = arith.index_cast %parallel_loop3A_109 : i32 to index
        %parallel_loop3A_126 = arith.constant 32 : index
        %parallel_loop3A_127 = tpu.vector_load %arg14[%parallel_loop3A_125, %parallel_loop3A_126] {strides = array<i32>} : memref<128x64xf32, #tpu.memory_space<vmem>>, vector<16xf32>,
        %parallel_loop3A_128 = arith.index_cast %parallel_loop3A_109 : i32 to index
        %parallel_loop3A_129 = arith.constant 32 : index
        %parallel_loop3A_130 = tpu.vector_load %arg15[%parallel_loop3A_128, %parallel_loop3A_129] {strides = array<i32>} : memref<128x64xf32, #tpu.memory_space<vmem>>, vector<16xf32>,
        %parallel_loop3A_131 = arith.mulf %parallel_loop3A_127, %parallel_loop3A_130 : vector<16xf32>
        %parallel_loop3A_132 = arith.addf %parallel_loop3A_124, %parallel_loop3A_131 : vector<16xf32>
        %parallel_loop3A_133 = arith.index_cast %parallel_loop3A_109 : i32 to index
        %parallel_loop3A_134 = arith.constant 48 : index
        %parallel_loop3A_135 = tpu.vector_load %arg14[%parallel_loop3A_133, %parallel_loop3A_134] {strides = array<i32>} : memref<128x64xf32, #tpu.memory_space<vmem>>, vector<16xf32>,
        %parallel_loop3A_136 = arith.index_cast %parallel_loop3A_109 : i32 to index
        %parallel_loop3A_137 = arith.constant 48 : index
        %parallel_loop3A_138 = tpu.vector_load %arg15[%parallel_loop3A_136, %parallel_loop3A_137] {strides = array<i32>} : memref<128x64xf32, #tpu.memory_space<vmem>>, vector<16xf32>,
        %parallel_loop3A_139 = arith.mulf %parallel_loop3A_135, %parallel_loop3A_138 : vector<16xf32>
        %parallel_loop3A_140 = arith.addf %parallel_loop3A_132, %parallel_loop3A_139 : vector<16xf32>
        %parallel_loop3A_141 = arith.constant true
        %parallel_loop3A_142 = vector.broadcast %parallel_loop3A_141 : i1 to vector<16xi1>
        %parallel_loop3A_143 = tpu.scan <sum>, %parallel_loop3A_140 masked %parallel_loop3A_142 : vector<16xf32>, vector<16xi1> -> vector<16xf32>
        %parallel_loop3A_144 = vector.extract %parallel_loop3A_143[15] : f32 from vector<16xf32>
        %parallel_loop3A_145 = arith.constant 1.250000e-01 : f32
        %parallel_loop3A_146 = arith.mulf %parallel_loop3A_144, %parallel_loop3A_145 : f32
        %parallel_loop3A_147 = vector.broadcast %parallel_loop3A_146 : f32 to vector<16xf32>
        %parallel_loop3A_148 = math.exp %parallel_loop3A_147 : vector<16xf32>
        %parallel_loop3A_149 = arith.index_cast %parallel_loop3A_109 : i32 to index
        %parallel_loop3A_150 = arith.constant 0 : index
        %parallel_loop3A_151 = tpu.vector_load %arg16[%parallel_loop3A_149, %parallel_loop3A_150] {strides = array<i32>} : memref<128x64xf32, #tpu.memory_space<vmem>>, vector<16xf32>,
        %parallel_loop3A_152 = arith.mulf %parallel_loop3A_151, %parallel_loop3A_148 : vector<16xf32>
        %parallel_loop3A_153 = arith.index_cast %parallel_loop3A_109 : i32 to index
        %parallel_loop3A_154 = arith.constant 0 : index
        %parallel_loop3A_155 = tpu.vector_load %arg17[%parallel_loop3A_153, %parallel_loop3A_154] {strides = array<i32>} : memref<128x80xf32, #tpu.memory_space<vmem>>, vector<16xf32>,
        tpu.vector_store %arg17[%parallel_loop3A_153, %parallel_loop3A_154], %parallel_loop3A_152 {strides = array<i32>} : memref<128x80xf32, #tpu.memory_space<vmem>>, vector<16xf32>,
        %parallel_loop3A_156 = arith.index_cast %parallel_loop3A_109 : i32 to index
        %parallel_loop3A_157 = arith.constant 16 : index
        %parallel_loop3A_158 = tpu.vector_load %arg16[%parallel_loop3A_156, %parallel_loop3A_157] {strides = array<i32>} : memref<128x64xf32, #tpu.memory_space<vmem>>, vector<16xf32>,
        %parallel_loop3A_159 = arith.mulf %parallel_loop3A_158, %parallel_loop3A_148 : vector<16xf32>
        %parallel_loop3A_160 = arith.index_cast %parallel_loop3A_109 : i32 to index
        %parallel_loop3A_161 = arith.constant 16 : index
        %parallel_loop3A_162 = tpu.vector_load %arg17[%parallel_loop3A_160, %parallel_loop3A_161] {strides = array<i32>} : memref<128x80xf32, #tpu.memory_space<vmem>>, vector<16xf32>,
        tpu.vector_store %arg17[%parallel_loop3A_160, %parallel_loop3A_161], %parallel_loop3A_159 {strides = array<i32>} : memref<128x80xf32, #tpu.memory_space<vmem>>, vector<16xf32>,
        %parallel_loop3A_163 = arith.index_cast %parallel_loop3A_109 : i32 to index
        %parallel_loop3A_164 = arith.constant 32 : index
        %parallel_loop3A_165 = tpu.vector_load %arg16[%parallel_loop3A_163, %parallel_loop3A_164] {strides = array<i32>} : memref<128x64xf32, #tpu.memory_space<vmem>>, vector<16xf32>,
        %parallel_loop3A_166 = arith.mulf %parallel_loop3A_165, %parallel_loop3A_148 : vector<16xf32>
        %parallel_loop3A_167 = arith.index_cast %parallel_loop3A_109 : i32 to index
        %parallel_loop3A_168 = arith.constant 32 : index
        %parallel_loop3A_169 = tpu.vector_load %arg17[%parallel_loop3A_167, %parallel_loop3A_168] {strides = array<i32>} : memref<128x80xf32, #tpu.memory_space<vmem>>, vector<16xf32>,
        tpu.vector_store %arg17[%parallel_loop3A_167, %parallel_loop3A_168], %parallel_loop3A_166 {strides = array<i32>} : memref<128x80xf32, #tpu.memory_space<vmem>>, vector<16xf32>,
        %parallel_loop3A_170 = arith.index_cast %parallel_loop3A_109 : i32 to index
        %parallel_loop3A_171 = arith.constant 48 : index
        %parallel_loop3A_172 = tpu.vector_load %arg16[%parallel_loop3A_170, %parallel_loop3A_171] {strides = array<i32>} : memref<128x64xf32, #tpu.memory_space<vmem>>, vector<16xf32>,
        %parallel_loop3A_173 = arith.mulf %parallel_loop3A_172, %parallel_loop3A_148 : vector<16xf32>
        %parallel_loop3A_174 = arith.index_cast %parallel_loop3A_109 : i32 to index
        %parallel_loop3A_175 = arith.constant 48 : index
        %parallel_loop3A_176 = tpu.vector_load %arg17[%parallel_loop3A_174, %parallel_loop3A_175] {strides = array<i32>} : memref<128x80xf32, #tpu.memory_space<vmem>>, vector<16xf32>,
        tpu.vector_store %arg17[%parallel_loop3A_174, %parallel_loop3A_175], %parallel_loop3A_173 {strides = array<i32>} : memref<128x80xf32, #tpu.memory_space<vmem>>, vector<16xf32>,
        %parallel_loop3A_177 = arith.constant 0.000000e+00 : f32
        %parallel_loop3A_178 = vector.broadcast %parallel_loop3A_177 : f32 to vector<16xf32>
        %parallel_loop3A_179 = arith.select %eq3A_4, %parallel_loop3A_148, %parallel_loop3A_178 : vector<16xi1>, vector<16xf32>
        %parallel_loop3A_180 = arith.index_cast %parallel_loop3A_109 : i32 to index
        %parallel_loop3A_181 = arith.constant 64 : index
        %parallel_loop3A_182 = tpu.vector_load %arg17[%parallel_loop3A_180, %parallel_loop3A_181] {strides = array<i32>} : memref<128x80xf32, #tpu.memory_space<vmem>>, vector<16xf32>,
        tpu.vector_store %arg17[%parallel_loop3A_180, %parallel_loop3A_181], %parallel_loop3A_179 {strides = array<i32>} : memref<128x80xf32, #tpu.memory_space<vmem>>, vector<16xf32>,
      } {sc.loop_unroll_factor = 4 : i64, sc.parallel_access}
      "tpu.region"() ({
        %run_scoped3A = tpu.sem_alloc : memref<!tpu.dma_semaphore, #tpu.memory_space<semaphore_mem>>
        %dma_start3A_109 = arith.constant 0 : i32
        %dma_start3A_110 = tpu.memref_slice %arg9[%add3A_81, %dma_start3A_109] : memref<80x128xi32, #tpu.memory_space<vmem>> -> memref<1x128xi32, #tpu.memory_space<vmem>>
        %dma_start3A_111 = tpu.memref_squeeze %dma_start3A_110 : memref<1x128xi32, #tpu.memory_space<vmem>> -> memref<128xi32, #tpu.memory_space<vmem>>
        %dma_start3A_112 = arith.constant 0 : i32
        %dma_start3A_113 = arith.constant 0 : i32
        %dma_start3A_114 = tpu.memref_slice %arg18[%dma_start3A_112, %dma_start3A_113] : memref<10112x80xf32, #tpu.memory_space<vmem_shared>> -> memref<10112x80xf32, #tpu.memory_space<vmem_shared>>
        tpu.enqueue_indirect_dma source(%arg17 : memref<128x80xf32, #tpu.memory_space<vmem>>) target(%dma_start3A_114 : memref<10112x80xf32, #tpu.memory_space<vmem_shared>>) offsets(%dma_start3A_111 : memref<128xi32, #tpu.memory_space<vmem>>) semaphore(%run_scoped3A : memref<!tpu.dma_semaphore, #tpu.memory_space<semaphore_mem>>) {add = true}
        %dma_wait3A_115 = arith.constant 0 : i32
        %dma_wait3A_116 = tpu.memref_slice %arg9[%add3A_81, %dma_wait3A_115] : memref<80x128xi32, #tpu.memory_space<vmem>> -> memref<1x128xi32, #tpu.memory_space<vmem>>
        %dma_wait3A_117 = tpu.memref_squeeze %dma_wait3A_116 : memref<1x128xi32, #tpu.memory_space<vmem>> -> memref<128xi32, #tpu.memory_space<vmem>>
        %dma_wait3A_118 = arith.constant 0 : i32
        %dma_wait3A_119 = arith.constant 0 : i32
        %dma_wait3A_120 = tpu.memref_slice %arg18[%dma_wait3A_118, %dma_wait3A_119] : memref<10112x80xf32, #tpu.memory_space<vmem_shared>> -> memref<10112x80xf32, #tpu.memory_space<vmem_shared>>
        tpu.wait_indirect_dma semaphore(%run_scoped3A : memref<!tpu.dma_semaphore, #tpu.memory_space<semaphore_mem>>) src(%arg17 : memref<128x80xf32, #tpu.memory_space<vmem>>) dst(%dma_wait3A_120 : memref<10112x80xf32, #tpu.memory_space<vmem_shared>>)
        tpu.yield
      }) : () -> ()
    }
    %scan3A_29 = arith.constant 40 : i32
    %barrier3A_30 = arith.constant 0 : index
    tpu.barrier barrier_id(%barrier3A_30)
    %mul3A_31 = arith.constant 632 : i32
    %mul3A_32 = arith.muli %arg1, %mul3A_31 : i32
    %mul3A_33 = arith.constant 632 : i32
    %mul3A_34 = arith.muli %arg1, %mul3A_33 : i32
    "tpu.region"() ({
      %run_scoped3A = tpu.sem_alloc : memref<!tpu.dma_semaphore, #tpu.memory_space<semaphore_mem>>
      %dma_start3A_35 = arith.constant 0 : i32
      %dma_start3A_36 = tpu.memref_slice %arg8[%arg0, %mul3A_34, %dma_start3A_35] : memref<2x10112x80xf32, #tpu.memory_space<hbm>> -> memref<1x632x80xf32, #tpu.memory_space<hbm>>
      %dma_start3A_37 = tpu.memref_squeeze %dma_start3A_36 : memref<1x632x80xf32, #tpu.memory_space<hbm>> -> memref<632x80xf32, #tpu.memory_space<hbm>>
      %dma_start3A_38 = arith.constant 0 : i32
      %dma_start3A_39 = tpu.memref_slice %arg18[%mul3A_32, %dma_start3A_38] : memref<10112x80xf32, #tpu.memory_space<vmem_shared>> -> memref<632x80xf32, #tpu.memory_space<vmem_shared>>
      tpu.enqueue_dma source(%dma_start3A_39 : memref<632x80xf32, #tpu.memory_space<vmem_shared>>) target(%dma_start3A_37 : memref<632x80xf32, #tpu.memory_space<hbm>>) target_semaphore(%run_scoped3A : memref<!tpu.dma_semaphore, #tpu.memory_space<semaphore_mem>>)
      %dma_wait3A = arith.constant 0 : i32
      %dma_wait3A_40 = tpu.memref_slice %arg8[%arg0, %mul3A_34, %dma_wait3A] : memref<2x10112x80xf32, #tpu.memory_space<hbm>> -> memref<1x632x80xf32, #tpu.memory_space<hbm>>
      %dma_wait3A_41 = tpu.memref_squeeze %dma_wait3A_40 : memref<1x632x80xf32, #tpu.memory_space<hbm>> -> memref<632x80xf32, #tpu.memory_space<hbm>>
      %dma_wait3A_42 = arith.constant 0 : i32
      %dma_wait3A_43 = tpu.memref_slice %arg18[%mul3A_32, %dma_wait3A_42] : memref<10112x80xf32, #tpu.memory_space<vmem_shared>> -> memref<632x80xf32, #tpu.memory_space<vmem_shared>>
      tpu.wait_dma2 semaphore(%run_scoped3A : memref<!tpu.dma_semaphore, #tpu.memory_space<semaphore_mem>>) src(%dma_wait3A_43 : memref<632x80xf32, #tpu.memory_space<vmem_shared>>) dst(%dma_wait3A_41 : memref<632x80xf32, #tpu.memory_space<hbm>>)
      tpu.yield
    }) : () -> ()
    return
  }
}

module attributes {stable_mosaic.version = 14 : i64} {
  func.func @_qkv_body(%arg0: i32, %arg1: memref<1264x128xf32, #tpu.memory_space<vmem>>, %arg2: memref<128x64xf32, #tpu.memory_space<vmem>>, %arg3: memref<1x64xf32, #tpu.memory_space<vmem>>, %arg4: memref<128x64xf32, #tpu.memory_space<vmem>>, %arg5: memref<1x64xf32, #tpu.memory_space<vmem>>, %arg6: memref<128x64xf32, #tpu.memory_space<vmem>>, %arg7: memref<1x64xf32, #tpu.memory_space<vmem>>, %arg8: memref<128x64xf32, #tpu.memory_space<vmem>>, %arg9: memref<1x64xf32, #tpu.memory_space<vmem>>, %arg10: memref<1264x64xf32, #tpu.memory_space<vmem>>, %arg11: memref<1264x64xf32, #tpu.memory_space<vmem>>, %arg12: memref<1264x64xf32, #tpu.memory_space<vmem>>, %arg13: memref<1264x64xf32, #tpu.memory_space<vmem>>) attributes {dimension_semantics = [#tpu.dimension_semantics<arbitrary>], iteration_bounds = array<i64: 8>, scalar_prefetch = 0 : i64, scratch_operands = 0 : i64, tpu.core_type = #tpu.core_type<tc>, window_params = [{transform_indices = @transform_0, window_bounds = array<i64: 1264, 128>}, {pipeline_mode = #tpu.pipeline_mode<synchronous>, transform_indices = @transform_1, window_bounds = array<i64: 128, 64>}, {pipeline_mode = #tpu.pipeline_mode<synchronous>, transform_indices = @transform_2, window_bounds = array<i64: 1, 64>}, {pipeline_mode = #tpu.pipeline_mode<synchronous>, transform_indices = @transform_3, window_bounds = array<i64: 128, 64>}, {pipeline_mode = #tpu.pipeline_mode<synchronous>, transform_indices = @transform_4, window_bounds = array<i64: 1, 64>}, {pipeline_mode = #tpu.pipeline_mode<synchronous>, transform_indices = @transform_5, window_bounds = array<i64: 128, 64>}, {pipeline_mode = #tpu.pipeline_mode<synchronous>, transform_indices = @transform_6, window_bounds = array<i64: 1, 64>}, {pipeline_mode = #tpu.pipeline_mode<synchronous>, transform_indices = @transform_7, window_bounds = array<i64: 128, 64>}, {pipeline_mode = #tpu.pipeline_mode<synchronous>, transform_indices = @transform_8, window_bounds = array<i64: 1, 64>}, {transform_indices = @transform_9, window_bounds = array<i64: 1264, 64>}, {transform_indices = @transform_10, window_bounds = array<i64: 1264, 64>}, {transform_indices = @transform_11, window_bounds = array<i64: 1264, 64>}, {transform_indices = @transform_12, window_bounds = array<i64: 1264, 64>}]} {
    %get3A = arith.constant 0 : index
    %get3A_0 = arith.constant 0 : index
    %get3A_1 = vector.load %arg1[%get3A, %get3A_0] : memref<1264x128xf32, #tpu.memory_space<vmem>>, vector<1264x128xf32>
    %get3A_2 = arith.constant 0 : index
    %get3A_3 = arith.constant 0 : index
    %get3A_4 = vector.load %arg2[%get3A_2, %get3A_3] : memref<128x64xf32, #tpu.memory_space<vmem>>, vector<128x64xf32>
    %dot_general3A = arith.constant dense<0.000000e+00> : vector<1264x64xf32>
    %dot_general3A_5 = tpu.matmul %get3A_1, %get3A_4, %dot_general3A {dimension_numbers = #tpu.dot_dimension_numbers<[1], [0], [0], [1], [0, 0, 1, 1], [], []>, transpose_lhs_hint = false} : vector<1264x128xf32>, vector<128x64xf32>, vector<1264x64xf32> -> vector<1264x64xf32>
    %get3A_6 = arith.constant 0 : index
    %get3A_7 = arith.constant 0 : index
    %get3A_8 = vector.load %arg3[%get3A_6, %get3A_7] : memref<1x64xf32, #tpu.memory_space<vmem>>, vector<1x64xf32>
    %add3A = vector.broadcast %get3A_8 : vector<1x64xf32> to vector<1264x64xf32>
    %add3A_9 = arith.addf %dot_general3A_5, %add3A : vector<1264x64xf32>
    %swap3A = arith.constant 0 : index
    %swap3A_10 = arith.constant 0 : index
    %swap3A_11 = vector.load %arg10[%swap3A, %swap3A_10] : memref<1264x64xf32, #tpu.memory_space<vmem>>, vector<1264x64xf32>
    tpu.vector_store %arg10[%swap3A, %swap3A_10], %add3A_9 {strides = array<i32>} : memref<1264x64xf32, #tpu.memory_space<vmem>>, vector<1264x64xf32>,
    %get3A_12 = arith.constant 0 : index
    %get3A_13 = arith.constant 0 : index
    %get3A_14 = vector.load %arg4[%get3A_12, %get3A_13] : memref<128x64xf32, #tpu.memory_space<vmem>>, vector<128x64xf32>
    %dot_general3A_15 = arith.constant dense<0.000000e+00> : vector<1264x64xf32>
    %dot_general3A_16 = tpu.matmul %get3A_1, %get3A_14, %dot_general3A_15 {dimension_numbers = #tpu.dot_dimension_numbers<[1], [0], [0], [1], [0, 0, 1, 1], [], []>, transpose_lhs_hint = false} : vector<1264x128xf32>, vector<128x64xf32>, vector<1264x64xf32> -> vector<1264x64xf32>
    %get3A_17 = arith.constant 0 : index
    %get3A_18 = arith.constant 0 : index
    %get3A_19 = vector.load %arg5[%get3A_17, %get3A_18] : memref<1x64xf32, #tpu.memory_space<vmem>>, vector<1x64xf32>
    %add3A_20 = vector.broadcast %get3A_19 : vector<1x64xf32> to vector<1264x64xf32>
    %add3A_21 = arith.addf %dot_general3A_16, %add3A_20 : vector<1264x64xf32>
    %swap3A_22 = arith.constant 0 : index
    %swap3A_23 = arith.constant 0 : index
    %swap3A_24 = vector.load %arg11[%swap3A_22, %swap3A_23] : memref<1264x64xf32, #tpu.memory_space<vmem>>, vector<1264x64xf32>
    tpu.vector_store %arg11[%swap3A_22, %swap3A_23], %add3A_21 {strides = array<i32>} : memref<1264x64xf32, #tpu.memory_space<vmem>>, vector<1264x64xf32>,
    %get3A_25 = arith.constant 0 : index
    %get3A_26 = arith.constant 0 : index
    %get3A_27 = vector.load %arg6[%get3A_25, %get3A_26] : memref<128x64xf32, #tpu.memory_space<vmem>>, vector<128x64xf32>
    %dot_general3A_28 = arith.constant dense<0.000000e+00> : vector<1264x64xf32>
    %dot_general3A_29 = tpu.matmul %get3A_1, %get3A_27, %dot_general3A_28 {dimension_numbers = #tpu.dot_dimension_numbers<[1], [0], [0], [1], [0, 0, 1, 1], [], []>, transpose_lhs_hint = false} : vector<1264x128xf32>, vector<128x64xf32>, vector<1264x64xf32> -> vector<1264x64xf32>
    %get3A_30 = arith.constant 0 : index
    %get3A_31 = arith.constant 0 : index
    %get3A_32 = vector.load %arg7[%get3A_30, %get3A_31] : memref<1x64xf32, #tpu.memory_space<vmem>>, vector<1x64xf32>
    %add3A_33 = vector.broadcast %get3A_32 : vector<1x64xf32> to vector<1264x64xf32>
    %add3A_34 = arith.addf %dot_general3A_29, %add3A_33 : vector<1264x64xf32>
    %swap3A_35 = arith.constant 0 : index
    %swap3A_36 = arith.constant 0 : index
    %swap3A_37 = vector.load %arg12[%swap3A_35, %swap3A_36] : memref<1264x64xf32, #tpu.memory_space<vmem>>, vector<1264x64xf32>
    tpu.vector_store %arg12[%swap3A_35, %swap3A_36], %add3A_34 {strides = array<i32>} : memref<1264x64xf32, #tpu.memory_space<vmem>>, vector<1264x64xf32>,
    %get3A_38 = arith.constant 0 : index
    %get3A_39 = arith.constant 0 : index
    %get3A_40 = vector.load %arg8[%get3A_38, %get3A_39] : memref<128x64xf32, #tpu.memory_space<vmem>>, vector<128x64xf32>
    %dot_general3A_41 = arith.constant dense<0.000000e+00> : vector<1264x64xf32>
    %dot_general3A_42 = tpu.matmul %get3A_1, %get3A_40, %dot_general3A_41 {dimension_numbers = #tpu.dot_dimension_numbers<[1], [0], [0], [1], [0, 0, 1, 1], [], []>, transpose_lhs_hint = false} : vector<1264x128xf32>, vector<128x64xf32>, vector<1264x64xf32> -> vector<1264x64xf32>
    %get3A_43 = arith.constant 0 : index
    %get3A_44 = arith.constant 0 : index
    %get3A_45 = vector.load %arg9[%get3A_43, %get3A_44] : memref<1x64xf32, #tpu.memory_space<vmem>>, vector<1x64xf32>
    %add3A_46 = vector.broadcast %get3A_45 : vector<1x64xf32> to vector<1264x64xf32>
    %add3A_47 = arith.addf %dot_general3A_42, %add3A_46 : vector<1264x64xf32>
    %swap3A_48 = arith.constant 0 : index
    %swap3A_49 = arith.constant 0 : index
    %swap3A_50 = vector.load %arg13[%swap3A_48, %swap3A_49] : memref<1264x64xf32, #tpu.memory_space<vmem>>, vector<1264x64xf32>
    tpu.vector_store %arg13[%swap3A_48, %swap3A_49], %add3A_47 {strides = array<i32>} : memref<1264x64xf32, #tpu.memory_space<vmem>>, vector<1264x64xf32>,
    return
  }
  func.func @transform_0(%arg0: i32) -> (i32, i32) {
    %c0_i32 = arith.constant 0 : i32
    %c0_i32_0 = arith.constant 0 : i32
    return %arg0, %c0_i32 : i32, i32
  }
  func.func @transform_1(%arg0: i32) -> (i32, i32) {
    %c0_i32 = arith.constant 0 : i32
    %c0_i32_0 = arith.constant 0 : i32
    %c0_i32_1 = arith.constant 0 : i32
    return %c0_i32, %c0_i32_0 : i32, i32
  }
  func.func @transform_2(%arg0: i32) -> (i32, i32) {
    %c0_i32 = arith.constant 0 : i32
    %c0_i32_0 = arith.constant 0 : i32
    %c0_i32_1 = arith.constant 0 : i32
    return %c0_i32, %c0_i32_0 : i32, i32
  }
  func.func @transform_3(%arg0: i32) -> (i32, i32) {
    %c0_i32 = arith.constant 0 : i32
    %c0_i32_0 = arith.constant 0 : i32
    %c0_i32_1 = arith.constant 0 : i32
    return %c0_i32, %c0_i32_0 : i32, i32
  }
  func.func @transform_4(%arg0: i32) -> (i32, i32) {
    %c0_i32 = arith.constant 0 : i32
    %c0_i32_0 = arith.constant 0 : i32
    %c0_i32_1 = arith.constant 0 : i32
    return %c0_i32, %c0_i32_0 : i32, i32
  }
  func.func @transform_5(%arg0: i32) -> (i32, i32) {
    %c0_i32 = arith.constant 0 : i32
    %c0_i32_0 = arith.constant 0 : i32
    %c0_i32_1 = arith.constant 0 : i32
    return %c0_i32, %c0_i32_0 : i32, i32
  }
  func.func @transform_6(%arg0: i32) -> (i32, i32) {
    %c0_i32 = arith.constant 0 : i32
    %c0_i32_0 = arith.constant 0 : i32
    %c0_i32_1 = arith.constant 0 : i32
    return %c0_i32, %c0_i32_0 : i32, i32
  }
  func.func @transform_7(%arg0: i32) -> (i32, i32) {
    %c0_i32 = arith.constant 0 : i32
    %c0_i32_0 = arith.constant 0 : i32
    %c0_i32_1 = arith.constant 0 : i32
    return %c0_i32, %c0_i32_0 : i32, i32
  }
  func.func @transform_8(%arg0: i32) -> (i32, i32) {
    %c0_i32 = arith.constant 0 : i32
    %c0_i32_0 = arith.constant 0 : i32
    %c0_i32_1 = arith.constant 0 : i32
    return %c0_i32, %c0_i32_0 : i32, i32
  }
  func.func @transform_9(%arg0: i32) -> (i32, i32) {
    %c0_i32 = arith.constant 0 : i32
    %c0_i32_0 = arith.constant 0 : i32
    return %arg0, %c0_i32 : i32, i32
  }
  func.func @transform_10(%arg0: i32) -> (i32, i32) {
    %c0_i32 = arith.constant 0 : i32
    %c0_i32_0 = arith.constant 0 : i32
    return %arg0, %c0_i32 : i32, i32
  }
  func.func @transform_11(%arg0: i32) -> (i32, i32) {
    %c0_i32 = arith.constant 0 : i32
    %c0_i32_0 = arith.constant 0 : i32
    return %arg0, %c0_i32 : i32, i32
  }
  func.func @transform_12(%arg0: i32) -> (i32, i32) {
    %c0_i32 = arith.constant 0 : i32
    %c0_i32_0 = arith.constant 0 : i32
    return %arg0, %c0_i32 : i32, i32
  }
}

module attributes {stable_mosaic.version = 14 : i64} {
  func.func @_final_body(%arg0: memref<2x10112x80xf32, #tpu.memory_space<vmem>>, %arg1: memref<10112x64xf32, #tpu.memory_space<vmem>>, %arg2: memref<1x64xf32, #tpu.memory_space<vmem>>, %arg3: memref<1x64xf32, #tpu.memory_space<vmem>>, %arg4: memref<1x64xf32, #tpu.memory_space<vmem>>, %arg5: memref<10000x64xf32, #tpu.memory_space<vmem>>) attributes {dimension_semantics = [], scalar_prefetch = 0 : i64, scratch_operands = 0 : i64, tpu.core_type = #tpu.core_type<tc>} {
    %get3A = arith.constant 0 : index
    %get3A_0 = arith.constant 0 : index
    %get3A_1 = arith.constant 0 : index
    %get3A_2 = vector.load %arg0[%get3A, %get3A_0, %get3A_1] : memref<2x10112x80xf32, #tpu.memory_space<vmem>>, vector<1x10112x80xf32>
    %get3A_3 = vector.shape_cast %get3A_2 : vector<1x10112x80xf32> to vector<10112x80xf32>
    %get3A_4 = arith.constant 1 : index
    %get3A_5 = arith.constant 0 : index
    %get3A_6 = arith.constant 0 : index
    %get3A_7 = vector.load %arg0[%get3A_4, %get3A_5, %get3A_6] : memref<2x10112x80xf32, #tpu.memory_space<vmem>>, vector<1x10112x80xf32>
    %get3A_8 = vector.shape_cast %get3A_7 : vector<1x10112x80xf32> to vector<10112x80xf32>
    %add3A = arith.addf %get3A_3, %get3A_8 : vector<10112x80xf32>
    %slice3A = vector.extract_strided_slice %add3A {offsets = [0, 0], sizes = [10000, 64], strides = [1, 1]} : vector<10112x80xf32> to vector<10000x64xf32>
    %slice3A_9 = vector.extract_strided_slice %add3A {offsets = [0, 64], sizes = [10000, 1], strides = [1, 1]} : vector<10112x80xf32> to vector<10000x1xf32>
    %add3A_10 = arith.constant 1.000000e-16 : f32
    %add3A_11 = vector.broadcast %add3A_10 : f32 to vector<10000x1xf32>
    %add3A_12 = arith.addf %slice3A_9, %add3A_11 : vector<10000x1xf32>
    %div3A = vector.broadcast %add3A_12 : vector<10000x1xf32> to vector<10000x64xf32>
    %div3A_13 = arith.divf %slice3A, %div3A : vector<10000x64xf32>
    %get3A_14 = arith.constant 0 : index
    %get3A_15 = arith.constant 0 : index
    %get3A_16 = vector.load %arg1[%get3A_14, %get3A_15] : memref<10112x64xf32, #tpu.memory_space<vmem>>, vector<10000x64xf32>
    %add3A_17 = arith.addf %div3A_13, %get3A_16 : vector<10000x64xf32>
    %reduce_sum3A = arith.constant dense<0.000000e+00> : vector<64xf32>
    %reduce_sum3A_18 = vector.multi_reduction <add>, %add3A_17, %reduce_sum3A [0] : vector<10000x64xf32> to vector<64xf32>
    %broadcast_in_dim3A = vector.shape_cast %reduce_sum3A_18 : vector<64xf32> to vector<1x64xf32>
    %div3A_19 = arith.constant 1.000000e+04 : f32
    %div3A_20 = vector.broadcast %div3A_19 : f32 to vector<1x64xf32>
    %div3A_21 = arith.divf %broadcast_in_dim3A, %div3A_20 : vector<1x64xf32>
    %get3A_22 = arith.constant 0 : index
    %get3A_23 = arith.constant 0 : index
    %get3A_24 = vector.load %arg4[%get3A_22, %get3A_23] : memref<1x64xf32, #tpu.memory_space<vmem>>, vector<1x64xf32>
    %mul3A = arith.mulf %get3A_24, %div3A_21 : vector<1x64xf32>
    %sub3A = vector.broadcast %mul3A : vector<1x64xf32> to vector<10000x64xf32>
    %sub3A_25 = arith.subf %add3A_17, %sub3A : vector<10000x64xf32>
    %mul3A_26 = arith.mulf %sub3A_25, %sub3A_25 : vector<10000x64xf32>
    %reduce_sum3A_27 = arith.constant dense<0.000000e+00> : vector<64xf32>
    %reduce_sum3A_28 = vector.multi_reduction <add>, %mul3A_26, %reduce_sum3A_27 [0] : vector<10000x64xf32> to vector<64xf32>
    %broadcast_in_dim3A_29 = vector.shape_cast %reduce_sum3A_28 : vector<64xf32> to vector<1x64xf32>
    %div3A_30 = arith.constant 1.000000e+04 : f32
    %div3A_31 = vector.broadcast %div3A_30 : f32 to vector<1x64xf32>
    %div3A_32 = arith.divf %broadcast_in_dim3A_29, %div3A_31 : vector<1x64xf32>
    %get3A_33 = arith.constant 0 : index
    %get3A_34 = arith.constant 0 : index
    %get3A_35 = vector.load %arg2[%get3A_33, %get3A_34] : memref<1x64xf32, #tpu.memory_space<vmem>>, vector<1x64xf32>
    %mul3A_36 = vector.broadcast %get3A_35 : vector<1x64xf32> to vector<10000x64xf32>
    %mul3A_37 = arith.mulf %mul3A_36, %sub3A_25 : vector<10000x64xf32>
    %add3A_38 = arith.constant 9.99999974E-6 : f32
    %add3A_39 = vector.broadcast %add3A_38 : f32 to vector<1x64xf32>
    %add3A_40 = arith.addf %div3A_32, %add3A_39 : vector<1x64xf32>
    %sqrt3A = math.sqrt %add3A_40 : vector<1x64xf32>
    %div3A_41 = vector.broadcast %sqrt3A : vector<1x64xf32> to vector<10000x64xf32>
    %div3A_42 = arith.divf %mul3A_37, %div3A_41 : vector<10000x64xf32>
    %get3A_43 = arith.constant 0 : index
    %get3A_44 = arith.constant 0 : index
    %get3A_45 = vector.load %arg3[%get3A_43, %get3A_44] : memref<1x64xf32, #tpu.memory_space<vmem>>, vector<1x64xf32>
    %add3A_46 = vector.broadcast %get3A_45 : vector<1x64xf32> to vector<10000x64xf32>
    %add3A_47 = arith.addf %div3A_42, %add3A_46 : vector<10000x64xf32>
    %max3A = arith.constant 0.000000e+00 : f32
    %max3A_48 = vector.broadcast %max3A : f32 to vector<10000x64xf32>
    %max3A_49 = arith.maximumf %add3A_47, %max3A_48 : vector<10000x64xf32>
    %reduce_min3A = vector.shape_cast %max3A_49 : vector<10000x64xf32> to vector<1x10000x64xf32>
    %reduce_min3A_50 = arith.constant dense<0x7F800000> : vector<1xf32>
    %reduce_min3A_51 = vector.multi_reduction <minimumf>, %reduce_min3A, %reduce_min3A_50 [1, 2] : vector<1x10000x64xf32> to vector<1xf32>
    %reduce_min3A_52 = vector.shape_cast %reduce_min3A_51 : vector<1xf32> to vector<1x1x1xf32>
    %reduce_min3A_53 = vector.extract %reduce_min3A_52[0, 0, 0] : f32 from vector<1x1x1xf32>
    %reduce_max3A = vector.shape_cast %max3A_49 : vector<10000x64xf32> to vector<1x10000x64xf32>
    %reduce_max3A_54 = arith.constant dense<0xFF800000> : vector<1xf32>
    %reduce_max3A_55 = vector.multi_reduction <maximumf>, %reduce_max3A, %reduce_max3A_54 [1, 2] : vector<1x10000x64xf32> to vector<1xf32>
    %reduce_max3A_56 = vector.shape_cast %reduce_max3A_55 : vector<1xf32> to vector<1x1x1xf32>
    %reduce_max3A_57 = vector.extract %reduce_max3A_56[0, 0, 0] : f32 from vector<1x1x1xf32>
    %sub3A_58 = vector.broadcast %reduce_min3A_53 : f32 to vector<10000x64xf32>
    %sub3A_59 = arith.subf %max3A_49, %sub3A_58 : vector<10000x64xf32>
    %sub3A_60 = arith.subf %reduce_max3A_57, %reduce_min3A_53 : f32
    %add3A_61 = arith.constant 9.99999993E-9 : f32
    %add3A_62 = arith.addf %sub3A_60, %add3A_61 : f32
    %div3A_63 = vector.broadcast %add3A_62 : f32 to vector<10000x64xf32>
    %div3A_64 = arith.divf %sub3A_59, %div3A_63 : vector<10000x64xf32>
    %swap3A = arith.constant 0 : index
    %swap3A_65 = arith.constant 0 : index
    %swap3A_66 = vector.load %arg5[%swap3A, %swap3A_65] : memref<10000x64xf32, #tpu.memory_space<vmem>>, vector<10000x64xf32>
    tpu.vector_store %arg5[%swap3A, %swap3A_65], %div3A_64 {strides = array<i32>} : memref<10000x64xf32, #tpu.memory_space<vmem>>, vector<10000x64xf32>,
    return
  }
}

</mosaic_0001>

<sc_bundles>
// kernel: kernel.5.cloned.1.call-start
scs
__scs_entry_jumppad:
0x0: {  	(pc) =	sbr.rel $0x88, $3  }
0x1: {  	(tag) =	ssettag $0x0;
	lr =	simm.s32 $0x1  }
0x2: {  	[smem:$0x3F94] =	sst lr;
	_ =	strace $0xD0000000  }
0x3: {  	_ = 	snop  }
0x4: {  	_ = 	snop  }
0x5: {  	_ = 	snop  }
0x6: {  	_ = 	snop  }
0x7: {  	_ = 	snop  }
__scs_overlays_trampoline_lowered:
0x8: {  	[smem:$0x3FA3] =	sst s0  }
0x9: {  	[smem:$0x3FA4] =	sst s1  }
0xa: {  	[smem:$0x3FA5] =	sst s2  }
0xb: {  	[smem:$0x3FA6] =	sst s3  }
0xc: {  	[smem:$0x3FA7] =	sst s4  }
0xd: {  	[smem:$0x3FA8] =	sst s5  }
0xe: {  	[smem:$0x3FA9] =	sst s6  }
0xf: {  	[smem:$0x3FAA] =	sst s7  }
0x10: {  	[smem:$0x3FAB] =	sst s8  }
0x11: {  	[smem:$0x3FAC] =	sst s9;
	s0 =	simm.s32 @!p0 $0x0  }
0x12: {  	s1 =	sld [smem:$0x3F92];
	s0 =	simm.s32 @p0 $0x1  }
0x13: {  	[smem:$0x3FAD] =	sst s0;
	s0 =	simm.s32 @!p1 $0x0  }
0x14: {  	s2 =	sld [smem:$0x3F91];
	s0 =	simm.s32 @p1 $0x1  }
0x15: {  	[smem:$0x3FAE] =	sst s0;
	s0 =	simm.s32 @!p2 $0x0  }
0x16: {  	s3 =	sld [smem:$0x3FDB];
	s0 =	simm.s32 @p2 $0x1  }
0x17: {  	s4 =	simm.s32 $0x1BF5;
	[smem:$0x3FB0] =	sst s0  }
0x18: {  	s0 =	sld [smem:$0x3F93];
	_ =	swait.ge [sflag:s4], $0x0  }
0x19: {  	s7 =	sld [smem:$0x3F94]  }
0x1a: {  	s8 =	sadd.s32 $0xFFFFE003, lr  }
0x1b: {  	s9 =	sadd.s32 $0xFFFFFEF7, lr;
	s5 =	simm.s32 $0xFFFFFFFF;
	p2 =	slt.u32 s8, $0xFFFFF086  }
0x1c: {  	p1 =	slt.u32 s9, $0xF7A;
	s5 =	simm.s32 @!p2 $0x0  }
0x1d: {  	s5 =	simm.s32 @p1 $0x1;
	p0 =	seq.s32 s7, s2  }
0x1e: {  	s7 =	smul.u32 @!p0 $0xF7A, s2;
	p2 =	seq.s32 @!p0 s5, $0x0  }
0x1f: {  	s9 =	smul.u32 $0xF7A, s1;
	s8 =	simm.s32 @!p0 $0x1BF5;
	p2 =	por !p2, p0  }
0x20: {  	[sflag:s8] =	ssyncset.s32 @!p0 $0xFFFFF086;
	s6 =	sadd.s32 @!p0 s3, s7;
	s7 =	simm.s32 @!p0 $0x108  }
0x21: {  	s3 =	sadd.s32 s3, s9;
	s6 =	sadd.s32 @!p0 $0x88, s6;
	s7 =	simm.s32 @p2 $0x1082  }
0x22: {  	[simem:s7], [sflag:s8] =	dma.local @!p0 [hbm:s6], $0xF7A  }
0x23: {  	s9 =	sor.u32 $0xD0000000, s2;
	s6 =	simm.s32 $0x108;
	_ =	swait.ge @!p0 [sflag:s8], $0x0  }
0x24: {  	s3 =	sadd.s32 $0x88, s3;
	s6 =	simm.s32 @!p1 $0x1082;
	[sflag:s4] =	ssyncset.s32 $0xFFFFF086  }
0x25: {  	[simem:s6], [sflag:s4] =	dma.local [hbm:s3], $0xF7A  }
0x26: {  	[smem:$0x3F94] =	sst s1;
	(tag) =	ssettag s2;
	_ =	strace s9  }
0x27: {  	s1 =	sld [smem:$0x3FA4]  }
0x28: {  	s2 =	sld [smem:$0x3FA5]  }
0x29: {  	s4 =	sld [smem:$0x3FA7]  }
0x2a: {  	p0 =	seq.s32 s5, $0x0;
	s5 =	sld [smem:$0x3FA8]  }
0x2b: {  	s6 =	sld [smem:$0x3FA9]  }
0x2c: {  	s7 =	sld [smem:$0x3FAA]  }
0x2d: {  	s3 =	simm.s32 $0x108;
	s8 =	sld [smem:$0x3FAB]  }
0x2e: {  	s3 =	simm.s32 @!p0 $0x1082;
	s9 =	sld [smem:$0x3FAC]  }
0x2f: {  	lr =	sadd.s32 s0, s3;
	s0 =	sld [smem:$0x3FA3]  }
0x30: {  	s3 =	sld [smem:$0x3FA6]  }
0x31: {  	[smem:$0x3FAF] =	sst s10  }
0x32: {  	s10 =	sld [smem:$0x3FAD];
	_ =	sdelay $0x3  }
0x33: {  	p0 =	seq.s32 s10, $0x1;
	s10 =	sld [smem:$0x3FAF];
	_ =	sdelay $0x3  }
0x34: {  	[smem:$0x3FAF] =	sst s10  }
0x35: {  	s10 =	sld [smem:$0x3FAE];
	_ =	sdelay $0x3  }
0x36: {  	p1 =	seq.s32 s10, $0x1;
	s10 =	sld [smem:$0x3FAF];
	_ =	sdelay $0x3  }
0x37: {  	[smem:$0x3FAF] =	sst s10  }
0x38: {  	s10 =	sld [smem:$0x3FB0]  }
0x39: {  	_ = 	snop;
	(pc) =	sbr.ind lr, $3  }
0x3a: {  	_ = 	snop  }
0x3b: {  	_ = 	snop  }
0x3c: {  	p2 =	seq.s32 s10, $0x1;
	s10 =	sld [smem:$0x3FAF]  }
0x3d: {  	_ =	shalt  }
0x3e: {  	_ =	shalt  }
0x3f: {  	_ =	shalt  }
0x40: {  	_ =	shalt  }
0x41: {  	_ =	shalt  }
0x42: {  	_ =	shalt  }
0x43: {  	_ =	shalt  }
0x44: {  	_ =	shalt  }
0x45: {  	_ =	shalt  }
0x46: {  	_ =	shalt  }
0x47: {  	_ =	shalt  }
0x48: {  	_ =	shalt  }
0x49: {  	_ =	shalt  }
0x4a: {  	_ =	shalt  }
0x4b: {  	_ =	shalt  }
0x4c: {  	_ =	shalt  }
0x4d: {  	_ =	shalt  }
0x4e: {  	_ =	shalt  }
0x4f: {  	_ =	shalt  }
0x50: {  	_ =	shalt  }
0x51: {  	_ =	shalt  }
0x52: {  	_ =	shalt  }
0x53: {  	_ =	shalt  }
0x54: {  	_ =	shalt  }
0x55: {  	_ =	shalt  }
0x56: {  	_ =	shalt  }
0x57: {  	_ =	shalt  }
0x58: {  	_ =	shalt  }
0x59: {  	_ =	shalt  }
0x5a: {  	_ =	shalt  }
0x5b: {  	_ =	shalt  }
0x5c: {  	_ =	shalt  }
0x5d: {  	_ =	shalt  }
0x5e: {  	_ =	shalt  }
0x5f: {  	_ =	shalt  }
0x60: {  	_ =	shalt  }
0x61: {  	_ =	shalt  }
0x62: {  	_ =	shalt  }
0x63: {  	_ =	shalt  }
0x64: {  	_ =	shalt  }
0x65: {  	_ =	shalt  }
0x66: {  	_ =	shalt  }
0x67: {  	_ =	shalt  }
0x68: {  	_ =	shalt  }
0x69: {  	_ =	shalt  }
0x6a: {  	_ =	shalt  }
0x6b: {  	_ =	shalt  }
0x6c: {  	_ =	shalt  }
0x6d: {  	_ =	shalt  }
0x6e: {  	_ =	shalt  }
0x6f: {  	_ =	shalt  }
0x70: {  	_ =	shalt  }
0x71: {  	_ =	shalt  }
0x72: {  	_ =	shalt  }
0x73: {  	_ =	shalt  }
0x74: {  	_ =	shalt  }
0x75: {  	_ =	shalt  }
0x76: {  	_ =	shalt  }
0x77: {  	_ =	shalt  }
0x78: {  	_ =	shalt  }
0x79: {  	_ =	shalt  }
0x7a: {  	_ =	shalt  }
0x7b: {  	_ =	shalt  }
0x7c: {  	_ =	shalt  }
0x7d: {  	_ =	shalt  }
0x7e: {  	_ =	shalt  }
0x7f: {  	_ =	shalt  }
0x80: {  	_ =	shalt  }
0x81: {  	_ =	shalt  }
0x82: {  	_ =	shalt  }
0x83: {  	_ =	shalt  }
0x84: {  	_ =	shalt  }
0x85: {  	_ =	shalt  }
0x86: {  	_ =	shalt  }
0x87: {  	_ =	shalt  }
.Lfunc_end0:
.L_simem_size_0:
called_computation_lowered:
.L_overlay_start_0:
0x88: {  	s2 =	sld [smem:$0x3FD9]  }
0x89: {  	s3 =	sld [smem:$0x3FFE];
	_ =	sdelay $0x1  }
0x8a: {  	s1 =	srdreg.scid  }
0x8b: {  	s0 =	sand.u32 $0x1, s1  }
0x8c: {  	s17 =	sshll.u32 s0, $0xA;
	s2 =	sadd.s32 s3, s2  }
0x8d: {  	s2 =	sadd.s32 s2, s17  }
0x8e: {  	[smem:$0x3FBB] =	sst s2  }
0x8f: {  	_ = 	snop  }
0x90: {  	s2 =	sld [smem:$0x3FD0];
	(tm) =	ssettm $0x1  }
0x91: {  	s18 =	sld [smem:$0x3FFB];
	_ =	sdelay $0x3  }
0x92: {  	_ =	strace s18  }
0x93: {  	s3 =	sld [smem:$0x3FFC];
	_ =	sdelay $0x3  }
0x94: {  	_ =	strace s3  }
0x95: {  	s3 =	sld [smem:$0x3FFD];
	_ =	sdelay $0x3  }
0x96: {  	_ =	strace s3  }
0x97: {  	_ =	strace $0x8FFFFFFF  }
0x98: {  	s19 =	sld [smem:$0x3FDB];
	_ =	sdelay $0x1  }
0x99: {  	s4 =	simm.s32 $_scs_section_size  }
0x9a: {  	s5 =	simm.s32 $_size__tile_overlayer_lowered;
	s6 =	simm.s32 $_tile_overlayer_lowered  }
0x9b: {  	s22 =	simm.s32 $0x1BFF;
	s21 =	sshll.u32 s6, $0x1;
	s3 =	sadd.s32 s4, s19  }
0x9c: {  	s7 =	simm.s32 $0x0;
	s20 =	sshll.u32 s5, $0x1;
	s5 =	sadd.s32 s21, s3  }
0x9d: {  	[timem:s7], [sflag:s22] =	dma.local [hbm:s5], s20  }
0x9e: {  	_ =	swait.ge [sflag:s22], s20  }
0x9f: {  	s4 =	ssub.s32 $0x0, s20;
	[sflag:s22] =	ssyncset.done $0x0  }
0xa0: {  	[sflag:s22] =	ssyncadd.s32 s4;
	_ =	sdelay $0x1  }
0xa1: {  	s23 =	simm.s32 $0x1B8B  }
0xa2: {  	_ =	swait.ge [sflag:s23], $0x1  }
0xa3: {  	[sflag:s23] =	ssyncset.done $0x0  }
0xa4: {  	s25 =	simm.s32 $0x1B8E;
	s24 =	sld [smem:$0x3FFE];
	[sflag:s23] =	ssyncadd.s32 $0xFFFFFFFF  }
0xa5: {  	s26 =	simm.s32 $execute0_lowered;
	[smem:$0x3FD2] =	sst s25  }
0xa6: {  	s5 =	sshll.u32 s26, $0x1;
	_ =	strace $0x80000046;
	[dreg:$0x1] =	wrdreg $0xFFFFFFFF  }
0xa7: {  	s28 =	simm.s32 $_size_execute0_lowered;
	s3 =	sadd.s32 s3, s5;
	[dreg:$0x0] =	wrdreg $0x0  }
0xa8: {  	s5 =	sshll.u32 s28, $0x1;
	[dreg:$0x2] =	wrdreg s3  }
0xa9: {  	[dreg:$0x3] =	wrdreg s5  }
0xaa: {  	[dreg:$0x4] =	wrdreg $0xC0  }
0xab: {  	_ =	task [dreg:s7], $0x5FFFF  }
0xac: {  	[dreg:$0x1] =	wrdreg $0xFFFFFFFF  }
0xad: {  	[dreg:$0x0] =	wrdreg $0x60  }
0xae: {  	[dreg:$0x2] =	wrdreg s2  }
0xaf: {  	[dreg:$0x3] =	wrdreg s24  }
0xb0: {  	[dreg:$0x4] =	wrdreg $0x138000  }
0xb1: {  	[dreg:$0x5] =	wrdreg $0x9  }
0xb2: {  	_ =	task.clear_ibuf [dreg:s7], $0x6FFFF;
	_ =	strace $0x90000046  }
0xb3: {  	s29 =	simm.s32 $0x9;
	_ =	strace $0x80000048  }
0xb4: {  	_ =	swait.ge [sflag:s29], $0x1  }
0xb5: {  	[sflag:s29] =	ssyncadd.s32 $0xFFFFFFFF  }
0xb6: {  	_ =	strace $0x90000048  }
0xb7: {  	_ =	sfence  }
0xb8: {  	s30 =	sld [smem:$0x0];
	_ =	sdelay $0x2  }
0xb9: {  	s31 =	sshll.u32 s1, $0xD;
	s1 =	sshrl.u32 s1, $0x2  }
0xba: {  	s3 =	sand.u32 $0x4000, s31;
	s1 =	sadd.s32 s1, s30  }
0xbb: {  	s0 =	sor.u32 s3, s0;
	s1 =	sshll.u32 s1, $0x11  }
0xbc: {  	s0 =	sor.u32 s1, s0  }
0xbd: {  	s0 =	sadd.s32 $0x8F2B, s0  }
0xbe: {  	[sflag:s0] =	ssyncadd.remote.s32 $0x1  }
0xbf: {  	_ =	sfence.sel $0xFFFF  }
0xc0: {  	[dreg:$0x0] =	wrdreg $0xFFFFFFFF;
	(pc) =	sbr.abs _section_cstart, $3  }
0xc1: {  	[dreg:$0x1] =	wrdreg $0xFFFFFFFF  }
0xc2: {  	_ =	task.clear_ibuf [dreg:s7], $0x2FFFF;
	_ =	strace $0x9FFFFFFF  }
0xc3: {  	(tm) =	ssettm $0x7FFFFFFF  }
tec
execute0_lowered:
.L_overlay_start_1:
0x0: {  	(tag) =	ssettag $0x1  }
0x1: {  	s1 =	rddreg [dreg:$0x0]  }
0x2: {  	s0 =	srdreg.scid;
	s4 =	rddreg [dreg:$0x1]  }
0x3: {  	s10 =	stileid.u32;
	s3 =	rddreg [dreg:$0x2];
	s5 =	simm.s32 $0x0  }
0x4: {  	s14 =	simm.s32 $0x7;
	s16 =	simm.s32 $0x80;
	s20 =	simm.s32 $0x1  }
0x5: {  	s21 =	simm.s32 $0x2;
	s22 =	simm.s32 $0x3;
	s28 =	simm.s32 $0x4  }
0x6: {  	s29 =	simm.s32 $0x5;
	s30 =	simm.s32 $0x6;
	s31 =	simm.s32 $0x0  }
0x7: {  	s0 =	sand.u32 $0x1, s0;
	s2 =	sshll.u32 s10, $0x1;
	s7 =	smul.u32 $0xC580, s10  }
0x8: {  	[smem:$0x7FF] =	sst s5;
	s5 =	sadd.s32 $0x14A00, s4;
	s6 =	sadd.s32 $0xE00, s4  }
0x9: {  	s9 =	sadd.s32 $0x3C600, s4;
	s24 =	sshll.u32 s10, $0x6;
	s2 =	sor.u32 s0, s2  }
0xa: {  	s8 =	smul.u32 $0xC5800, s0;
	_ =	strace $0x80000047;
	s0 =	ssub.s32 $0x2, s0  }
0xb: {  	[dreg:$0x4] =	wrdreg s9;
	s2 =	smul.u32 $0x500, s2;
	s23 =	sshrl.u32 s0, $0x1  }
0xc: {  	s8 =	sadd.s32 s7, s8;
	s0 =	ssub.s32 s0, s23;
	s7 =	sadd.s32 s7, s3  }
0xd: {  	s23 =	simm.s32 $0xB000;
	s2 =	sadd.s32 s2, s4;
	s0 =	smax.u32 s0, $0x1  }
0xe: {  	s8 =	sshrl.u32 s8, $0x3;
	s25 =	sadd.s32 $0x32600, s2;
	[dreg:$0x8] =	wrdreg s0  }
0xf: {  	s4 =	sadd.s32 s8, s4;
	s2 =	sadd.s32 $0x28600, s2;
	[dreg:$0x5] =	wrdreg s25  }
0x10: {  	s8 =	sor.u32 $0x1C07, s24;
	[dreg:$0x6] =	wrdreg s2;
	s26 =	sadd.s32 $0x3E000, s4  }
0x11: {  	s24 =	simm.s32 $0xD000;
	s2 =	sshrl.u32 s7, $0x3;
	[dreg:$0x7] =	wrdreg s26  }
0x12: {  	vm0 =	vmmov $0x1;
	s25 =	simm.s32 $0xF000;
	s26 =	simm.s32 $0x11000;
	[dreg:$0x9] =	wrdreg s2  }
.LBB2_1:
0x13: {  	s0 =	rddreg [dreg:$0x4]  }
0x14: {  	[spmem:s2], [sflag:s8] =	dma.local [hbm:s0], $0x18B0  }
0x15: {  	_ =	swait.ge [sflag:s14], $0x18B0  }
0x16: {  	[sflag:s14] =	ssyncset.done $0x0  }
0x17: {  	s11 =	simm.s32 $0x0;
	s12 =	rddreg [dreg:$0x5];
	[sflag:s14] =	ssyncadd.s32 $0xFFFFE750  }
0x18: {  	[tilespmem:s11], [sflag:$0x7] =	stream.linear.gather [hbm4b:s12+s11], $0x2800, $0x38;
	[tilespmem:$0x1FD80] =	vst v63  }
0x19: {  	_ =	swait.ge [sflag:s14], $0x2800  }
0x1a: {  	[sflag:s14] =	ssyncset.done $0x0  }
0x1b: {  	s4 =	simm.s32 $0x2800;
	s15 =	rddreg [dreg:$0x6];
	[sflag:s14] =	ssyncadd.s32 $0xFFFFD800  }
0x1c: {  	[tilespmem:s4], [sflag:$0x7] =	stream.linear.gather [hbm4b:s15+s11], $0x2800, $0x38;
	[tilespmem:$0x1FD80] =	vst v63  }
0x1d: {  	_ =	swait.ge [sflag:s14], $0x2800  }
0x1e: {  	[sflag:s14] =	ssyncset.done $0x0  }
0x1f: {  	[sflag:s14] =	ssyncadd.s32 $0xFFFFD800  }
0x20: {  	s17 =	simm.s32 $0x5000;
	[bflag:$0x0] =	sbarrier.arrive $0xFFFF  }
0x21: {  	[tilespmem:s17], [sflag:$0x1] =	stream.indirect.gather [hbm4b:s1+s16], $0x40, s11, s16, $0xb8;
	[tilespmem:$0x1FD80] =	vst v63  }
0x22: {  	s18 =	simm.s32 $0x7000  }
0x23: {  	[tilespmem:s18], [sflag:$0x2] =	stream.indirect.gather [hbm4b:s5+s16], $0x40, s4, s16, $0xb8;
	[tilespmem:$0x1FD80] =	vst v63  }
0x24: {  	s13 =	smov.u32 s8;
	s19 =	simm.s32 $0x9000;
	s2 =	simm.s32 $0x0  }
0x25: {  	[tilespmem:s19], [sflag:$0x3] =	stream.indirect.gather [hbm4b:s6+s16], $0x40, s4, s16, $0xb8;
	[tilespmem:$0x1FD80] =	vst v63  }
.LBB2_2:
0x26: {  	_ =	swait.ge [sflag:s20], $0x2000  }
0x27: {  	[sflag:s20] =	ssyncset.done $0x0  }
0x28: {  	[sflag:s20] =	ssyncadd.s32 $0xFFFFE000  }
0x29: {  	_ =	swait.ge [sflag:s21], $0x2000  }
0x2a: {  	[sflag:s21] =	ssyncset.done $0x0  }
0x2b: {  	[sflag:s21] =	ssyncadd.s32 $0xFFFFE000  }
0x2c: {  	_ =	swait.ge [sflag:s22], $0x2000  }
0x2d: {  	s17 =	sshll.u32 s2, $0x8;
	[sflag:s22] =	ssyncset.done $0x0  }
0x2e: {  	s0 =	sor.u32 $0x80, s17;
	[sflag:s22] =	ssyncadd.s32 $0xFFFFE000  }
0x2f: {  	[tilespmem:s23], [sflag:$0x4] =	stream.indirect.gather [hbm4b:s1+s16], $0x40, s0, s16, $0xb8;
	[tilespmem:$0x1FD80] =	vst v63  }
0x30: {  	s4 =	sadd.s32 $0x2880, s17  }
0x31: {  	[tilespmem:s24], [sflag:$0x5] =	stream.indirect.gather [hbm4b:s5+s16], $0x40, s4, s16, $0xb8;
	[tilespmem:$0x1FD80] =	vst v63  }
0x32: {  	s10 =	simm.s32 $0x5080  }
0x33: {  	[tilespmem:s25], [sflag:$0x6] =	stream.indirect.gather [hbm4b:s6+s16], $0x40, s4, s16, $0xb8;
	[tilespmem:$0x1FD80] =	vst v63  }
0x34: {  	s7 =	simm.s32 $0x7080;
	v0 =	vld [tilespmem:s10+$0x40]  }
0x35: {  	v1 =	vld [tilespmem:s7+$0x40]  }
0x36: {  	v2 =	vld [tilespmem:s10+$0x50]  }
0x37: {  	v3 =	vld [tilespmem:s7+$0x50]  }
0x38: {  	v4 =	vld [tilespmem:s10+$0x60]  }
0x39: {  	v5 =	vld [tilespmem:s7+$0x60]  }
0x3a: {  	v6 =	vld [tilespmem:s10+$0x70]  }
0x3b: {  	v7 =	vld [tilespmem:s7+$0x70]  }
0x3c: {  	v0 =	vmul.f32 v1, v0;
	v1 =	vmul.f32 v3, v2;
	_ =	sdelay $0x1  }
0x3d: {  	v0 =	vadd.f32 v1, v0;
	v1 =	vmul.f32 v5, v4;
	_ =	sdelay $0x1  }
0x3e: {  	v8 =	vld [tilespmem:s7+$0x0];
	v0 =	vadd.f32 v1, v0;
	v1 =	vmul.f32 v7, v6  }
0x3f: {  	v9 =	vld [tilespmem:s10+$0x10]  }
0x40: {  	v10 =	vld [tilespmem:s7+$0x10];
	v0 =	vadd.f32 v1, v0  }
0x41: {  	v11 =	vld [tilespmem:s10+$0xFFFFFF80]  }
0x42: {  	v12 =	vld [tilespmem:s10+$0xFFFFFFA0];
	(xrf2) =	vadd.scan.msk.f32 $0xffff, v0  }
0x43: {  	v13 =	vld [tilespmem:s7+$0xFFFFFFA0]  }
0x44: {  	v14 =	vld [tilespmem:s10+$0xFFFFFFE0]  }
0x45: {  	v16 =	vld [tilespmem:s7+$0xFFFFFFE0]  }
0x46: {  	v17 =	vld [tilespmem:s7+$0x20]  }
0x47: {  	v18 =	vld [tilespmem:s10+$0xFFFFFFB0]  }
0x48: {  	v19 =	vld [tilespmem:s7+$0xFFFFFFB0]  }
0x49: {  	v2 =	vld [tilespmem:s7+$0xFFFFFF80]  }
0x4a: {  	v3 =	vld [tilespmem:s10+$0xFFFFFF90]  }
0x4b: {  	v4 =	vld [tilespmem:s7+$0xFFFFFF90]  }
0x4c: {  	v5 =	vld [tilespmem:s7+$0xFFFFFFC0];
	v15, _, _ =	vpop (xrf2)  }
0x4d: {  	v6 =	vld [tilespmem:s7+$0xFFFFFFD0];
	(v2sf) =	vpush v15, $0xF  }
0x4e: {  	v1 =	vld [tilespmem:s10+$0xFFFFFFC0]  }
0x4f: {  	v0 =	vld [tilespmem:s10+$0xFFFFFFD0]  }
0x50: {  	v7 =	vld [tilespmem:s10+$0x0]  }
0x51: {  	v20 =	vld [tilespmem:s10+$0xFFFFFFF0]  }
0x52: {  	v3 =	vmul.f32 v4, v3;
	v4 =	vld [tilespmem:s7+$0xFFFFFFF0]  }
0x53: {  	v2 =	vmul.f32 v2, v11;
	v15 =	vld [tilespmem:s10+$0x20]  }
0x54: {  	v1 =	vmul.f32 v5, v1;
	v5 =	vld [tilespmem:s10+$0x30];
	v0 =	vmul.f32 v6, v0  }
0x55: {  	v6 =	vmul.f32 v8, v7;
	v7 =	vmul.f32 v10, v9;
	v8 =	vld [tilespmem:s7+$0x30]  }
0x56: {  	v2 =	vadd.f32 v3, v2;
	v3 =	vmul.f32 v13, v12  }
0x57: {  	v0 =	vadd.f32 v0, v1;
	v1 =	vadd.f32 v7, v6;
	v6 =	vmul.f32 v16, v14  }
0x58: {  	v2 =	vadd.f32 v3, v2;
	v7 =	vmul.f32 v19, v18;
	v3 =	vmul.f32 v17, v15  }
0x59: {  	v4 =	vmul.f32 v4, v20;
	v0 =	vadd.f32 v6, v0  }
0x5a: {  	v2 =	vadd.f32 v7, v2;
	v1 =	vadd.f32 v3, v1;
	v3 =	vmul.f32 v8, v5  }
0x5b: {  	v0 =	vadd.f32 v4, v0  }
0x5c: {  	(xrf2) =	vadd.scan.msk.f32 $0xffff, v2;
	v1 =	vadd.f32 v3, v1;
	s11 =	spop (v2sf)  }
0x5d: {  	(xrf2) =	vadd.scan.msk.f32 $0xffff, v0;
	s12 =	smul.f32 $1.250000000e-01, s11  }
0x5e: {  	s19 =	simm.s32 $0x7180;
	(xrf2) =	vadd.scan.msk.f32 $0xffff, v1  }
0x5f: {  	v2 =	vld [tilespmem:s19+$0x40];
	v0 =	vmov s12  }
0x60: {  	s15 =	simm.s32 $0x5180;
	v4 =	vld [tilespmem:s19+$0x50];
	v0 =	vmul.f32 $1.442695020e+00, v0  }
0x61: {  	v3 =	vld [tilespmem:s15+$0x50]  }
0x62: {  	v1 =	vld [tilespmem:s15+$0x40];
	v0 =	vbroadcast v0, $0x0  }
0x63: {  	v5 =	vld [tilespmem:s15+$0x60]  }
0x64: {  	(erf) = vpow2.f32 v0;
	v0 =	vld [tilespmem:s19+$0x60]  }
0x65: {  	v6 =	vld [tilespmem:s15+$0x70]  }
0x66: {  	v8 =	vld [tilespmem:s19+$0x70];
	v7, _, _ =	vpop (xrf2)  }
0x67: {  	(v2sf) =	vpush v7, $0xF;
	v7, _, _ =	vpop (xrf2);
	v1 =	vmul.f32 v2, v1;
	v2 =	vmul.f32 v4, v3  }
0x68: {  	(v2sf) =	vpush v7, $0xF;
	v3, _, _ =	vpop (xrf2)  }
0x69: {  	v1 =	vadd.f32 v2, v1;
	(v2sf) =	vpush v3, $0xF;
	v0 =	vmul.f32 v0, v5  }
0x6a: {  	v21 =	vld [tilespmem:s15+$0x20]  }
0x6b: {  	v22 =	vld [tilespmem:s19+$0x20];
	v0 =	vadd.f32 v0, v1;
	v1 =	vmul.f32 v8, v6  }
0x6c: {  	v23 =	vld [tilespmem:s15+$0xFFFFFFB0]  }
0x6d: {  	v11 =	vld [tilespmem:s15+$0x10];
	v0 =	vadd.f32 v1, v0  }
0x6e: {  	v12 =	vld [tilespmem:s19+$0x10]  }
0x6f: {  	v13 =	vld [tilespmem:s15+$0xFFFFFF80];
	(xrf2) =	vadd.scan.msk.f32 $0xffff, v0  }
0x70: {  	v20 =	vld [tilespmem:s19+$0xFFFFFFE0]  }
0x71: {  	v9 =	vld [tilespmem:s15+$0x0]  }
0x72: {  	v10 =	vld [tilespmem:s19+$0x0]  }
0x73: {  	v14 =	vld [tilespmem:s15+$0xFFFFFFA0]  }
0x74: {  	v15 =	vld [tilespmem:s19+$0xFFFFFFA0]  }
0x75: {  	v7 =	vld [tilespmem:s15+$0xFFFFFFC0];
	s12 =	simm.s32 $0x9080  }
0x76: {  	v4 =	vld [tilespmem:s12+$0x40];
	s9 =	spop (v2sf)  }
0x77: {  	v5 =	vld [tilespmem:s15+$0xFFFFFF90];
	s9 =	smul.f32 $1.250000000e-01, s9;
	s10 =	spop (v2sf)  }
0x78: {  	v6 =	vld [tilespmem:s19+$0xFFFFFF90];
	s10 =	smul.f32 $1.250000000e-01, s10;
	s11 =	spop (v2sf)  }
0x79: {  	v8 =	vld [tilespmem:s15+$0xFFFFFFD0];
	v16 =	vmov s9;
	s8 =	smul.f32 $1.250000000e-01, s11;
	v18, _, _ =	vpop (xrf2)  }
0x7a: {  	v3 =	vpop (erf);
	v1 =	vld [tilespmem:s19+$0xFFFFFFC0];
	v16 =	vmul.f32 $1.442695020e+00, v16;
	v19 =	vmov s10;
	(v2sf) =	vpush v18, $0xF  }
0x7b: {  	v4 =	vmul.f32 v3, v4;
	v0 =	vld [tilespmem:s19+$0xFFFFFFD0];
	v18 =	vmul.f32 $1.442695020e+00, v19;
	v19 =	vmov s8  }
0x7c: {  	v17 =	vld [tilespmem:s15+$0xFFFFFFE0];
	v16 =	vbroadcast v16, $0x0;
	v19 =	vmul.f32 $1.442695020e+00, v19  }
0x7d: {  	v2 =	vld [tilespmem:s19+$0xFFFFFF80];
	v5 =	vmul.f32 v6, v5;
	v18 =	vbroadcast v18, $0x0  }
0x7e: {  	v6 =	vld [tilespmem:s15+$0x30];
	(erf) = vpow2.f32 v16;
	v16 =	vbroadcast v19, $0x0  }
0x7f: {  	v1 =	vmul.f32 v1, v7;
	(erf) = vpow2.f32 v18;
	v18 =	vld [tilespmem:s15+$0xFFFFFFF0]  }
0x80: {  	s18 =	simm.s32 $0x110A0;
	v0 =	vmul.f32 v0, v8;
	(erf) = vpow2.f32 v16;
	v16 =	vld [tilespmem:s19+$0xFFFFFFF0]  }
0x81: {  	[tilespmem:s18+$0x50] =	vst v4;
	v8 =	vmul.f32 v10, v9;
	v9 =	vmul.f32 v12, v11;
	v19 =	vld [tilespmem:s19+$0xFFFFFFB0]  }
0x82: {  	v2 =	vmul.f32 v2, v13;
	v4 =	vld [tilespmem:s12+$0x50]  }
0x83: {  	v7 =	vld [tilespmem:s19+$0x30];
	v0 =	vadd.f32 v0, v1;
	v8 =	vadd.f32 v9, v8;
	v9 =	vmul.f32 v20, v17  }
0x84: {  	v1 =	vadd.f32 v5, v2;
	v2 =	vmul.f32 v15, v14  }
0x85: {  	v12 =	vld [tilespmem:s12+$0x0];
	v0 =	vadd.f32 v9, v0;
	v9 =	vmul.f32 v16, v18  }
0x86: {  	v11 =	vmul.f32 v22, v21;
	v1 =	vadd.f32 v2, v1;
	v2 =	vmul.f32 v19, v23  }
0x87: {  	v13 =	vmul.f32 v3, v4;
	v4 =	vpop (erf)  }
0x88: {  	v5 =	vld [tilespmem:s12+$0xFFFFFFC0];
	v11 =	vadd.f32 v11, v8;
	v1 =	vadd.f32 v2, v1;
	v2 =	vmul.f32 v7, v6;
	v8 =	vpop (erf)  }
0x89: {  	s9 =	simm.s32 $0x5280;
	v0 =	vadd.f32 v9, v0;
	v9 =	vpop (erf);
	s10 =	spop (v2sf)  }
0x8a: {  	v25 =	vld [tilespmem:s9+$0xFFFFFFE0];
	(xrf2) =	vadd.scan.msk.f32 $0xffff, v1;
	v1 =	vadd.f32 v2, v11;
	v2 =	vmul.f32 v9, v12;
	s4 =	smul.f32 $1.250000000e-01, s10  }
0x8b: {  	v10 =	vld [tilespmem:s12+$0xFFFFFF80]  }
0x8c: {  	v30 =	vld [tilespmem:s9+$0x20];
	[tilespmem:s18+$0x0] =	vst v2;
	v2 =	vmov s4  }
0x8d: {  	v31 =	vld [tilespmem:s9+$0xFFFFFFB0];
	v5 =	vmul.f32 v8, v5;
	v2 =	vmul.f32 $1.442695020e+00, v2  }
0x8e: {  	v11 =	vld [tilespmem:s9+$0x50];
	(xrf2) =	vadd.scan.msk.f32 $0xffff, v0  }
0x8f: {  	(xrf2) =	vadd.scan.msk.f32 $0xffff, v1;
	[tilespmem:s18+$0xFFFFFFB0] =	vst v5;
	v5 =	vld [tilespmem:s9+$0x40];
	s4 =	simm.s32 $0x7280;
	v2 =	vbroadcast v2, $0x0  }
0x90: {  	v6 =	vmul.f32 v4, v10;
	v10 =	vld [tilespmem:s4+$0x40]  }
0x91: {  	(erf) = vpow2.f32 v2;
	v2 =	vld [tilespmem:s4+$0x50]  }
0x92: {  	v12 =	vld [tilespmem:s9+$0x60]  }
0x93: {  	[tilespmem:s18+$0x60] =	vst v13;
	v13 =	vld [tilespmem:s4+$0x60]  }
0x94: {  	v15 =	vld [tilespmem:s9+$0x70]  }
0x95: {  	v16 =	vld [tilespmem:s4+$0x70]  }
0x96: {  	v42 =	vld [tilespmem:s9+$0xFFFFFFF0];
	v5 =	vmul.f32 v10, v5;
	v2 =	vmul.f32 v2, v11  }
0x97: {  	v21 =	vld [tilespmem:s9+$0xFFFFFF80];
	v14, _, _ =	vpop (xrf2)  }
0x98: {  	s7 =	simm.s32 $0x9180;
	v22 =	vld [tilespmem:s9+$0xFFFFFFA0];
	(v2sf) =	vpush v14, $0xF;
	v14, _, _ =	vpop (xrf2);
	v12 =	vmul.f32 v13, v12;
	v2 =	vadd.f32 v2, v5  }
0x99: {  	v17 =	vld [tilespmem:s7+$0x40];
	(v2sf) =	vpush v14, $0xF;
	v14, _, _ =	vpop (xrf2)  }
0x9a: {  	v19 =	vld [tilespmem:s9+$0x10];
	(v2sf) =	vpush v14, $0xF;
	v2 =	vadd.f32 v12, v2;
	v12 =	vmul.f32 v16, v15  }
0x9b: {  	v7 =	vld [tilespmem:s12+$0x60];
	[tilespmem:s18+$0xFFFFFF60] =	vst v6  }
0x9c: {  	v0 =	vld [tilespmem:s12+$0xFFFFFF90];
	v2 =	vadd.f32 v12, v2  }
0x9d: {  	v1 =	vld [tilespmem:s12+$0xFFFFFFD0]  }
0x9e: {  	v6 =	vld [tilespmem:s12+$0x10];
	(xrf2) =	vadd.scan.msk.f32 $0xffff, v2  }
0x9f: {  	v18 =	vld [tilespmem:s4+$0x0]  }
0xa0: {  	v20 =	vld [tilespmem:s4+$0x10]  }
0xa1: {  	v23 =	vld [tilespmem:s4+$0xFFFFFFA0]  }
0xa2: {  	v41 =	vld [tilespmem:s4+$0xFFFFFFB0];
	v5 =	vpop (erf)  }
0xa3: {  	v10 =	vld [tilespmem:s4+$0xFFFFFF80];
	v16 =	vmul.f32 v5, v17  }
0xa4: {  	s19 =	simm.s32 $0x111E0;
	v13 =	vld [tilespmem:s4+$0xFFFFFF90]  }
0xa5: {  	v11 =	vld [tilespmem:s9+$0xFFFFFF90];
	[tilespmem:s19+$0x50] =	vst v16  }
0xa6: {  	v16 =	vld [tilespmem:s7+$0x50]  }
0xa7: {  	v14 =	vld [tilespmem:s9+$0xFFFFFFC0];
	s11 =	spop (v2sf)  }
0xa8: {  	v7 =	vmul.f32 v3, v7;
	v15 =	vld [tilespmem:s4+$0xFFFFFFC0];
	s10 =	smul.f32 $1.250000000e-01, s11;
	s15 =	spop (v2sf);
	v28, _, _ =	vpop (xrf2)  }
0xa9: {  	v0 =	vmul.f32 v4, v0;
	v1 =	vmul.f32 v8, v1;
	v2 =	vld [tilespmem:s9+$0x0];
	s11 =	smul.f32 $1.250000000e-01, s15;
	s15 =	spop (v2sf);
	(v2sf) =	vpush v28, $0xF  }
0xaa: {  	v6 =	vmul.f32 v9, v6;
	v10 =	vmul.f32 v10, v21;
	v17 =	vld [tilespmem:s9+$0xFFFFFFD0]  }
0xab: {  	v11 =	vmul.f32 v13, v11;
	v12 =	vld [tilespmem:s4+$0xFFFFFFD0];
	v16 =	vmul.f32 v5, v16  }
0xac: {  	v27 =	vld [tilespmem:s4+$0xFFFFFFE0];
	[tilespmem:s18+$0xFFFFFF70] =	vst v0;
	v0 =	vmul.f32 v20, v19;
	v20 =	vmul.f32 v41, v31  }
0xad: {  	v32 =	vld [tilespmem:s9+$0x30];
	v10 =	vadd.f32 v11, v10;
	v11 =	vmul.f32 v23, v22;
	v24 =	vmov s10;
	[tilespmem:s19+$0x60] =	vst v16  }
0xae: {  	v2 =	vmul.f32 v18, v2;
	v24 =	vmul.f32 $1.442695020e+00, v24;
	v26 =	vmov s11;
	v16 =	vld [tilespmem:s7+$0x60]  }
0xaf: {  	v43 =	vld [tilespmem:s4+$0xFFFFFFF0];
	v14 =	vmul.f32 v15, v14;
	s8 =	smul.f32 $1.250000000e-01, s15;
	v26 =	vmul.f32 $1.442695020e+00, v26  }
0xb0: {  	v39 =	vld [tilespmem:s4+$0x20];
	[tilespmem:s18+$0xFFFFFFC0] =	vst v1;
	v12 =	vmul.f32 v12, v17;
	v19 =	vadd.f32 v0, v2;
	v24 =	vbroadcast v24, $0x0  }
0xb1: {  	v21 =	vld [tilespmem:s12+$0xFFFFFFE0];
	v0 =	vmul.f32 v27, v25;
	v29 =	vmov s8;
	v26 =	vbroadcast v26, $0x0  }
0xb2: {  	[tilespmem:s18+$0x70] =	vst v7;
	v13 =	vld [tilespmem:s4+$0x30];
	v7 =	vadd.f32 v12, v14;
	v38 =	vmul.f32 $1.442695020e+00, v29;
	(erf) = vpow2.f32 v24  }
0xb3: {  	v15 =	vld [tilespmem:s7+$0xFFFFFF80];
	(erf) = vpow2.f32 v26;
	v16 =	vmul.f32 v5, v16  }
0xb4: {  	[tilespmem:s18+$0x10] =	vst v6;
	v10 =	vadd.f32 v11, v10;
	v17 =	vld [tilespmem:s7+$0xFFFFFFC0];
	v6 =	vadd.f32 v0, v7;
	v7 =	vmul.f32 v43, v42  }
0xb5: {  	v18 =	vld [tilespmem:s7+$0x0];
	v40 =	vbroadcast v38, $0x0;
	[tilespmem:s19+$0x70] =	vst v16;
	v16 =	vmul.f32 v39, v30  }
0xb6: {  	v10 =	vadd.f32 v20, v10;
	v12 =	vld [tilespmem:s12+$0xFFFFFFA0];
	v6 =	vadd.f32 v7, v6  }
0xb7: {  	v14 =	vld [tilespmem:s12+$0x70];
	s11 =	simm.s32 $0x7380;
	v7 =	vmul.f32 v13, v32;
	(erf) = vpow2.f32 v40;
	v16 =	vadd.f32 v16, v19  }
0xb8: {  	(xrf2) =	vadd.scan.msk.f32 $0xffff, v10;
	v22 =	vld [tilespmem:s11+$0x60];
	s15 =	spop (v2sf)  }
0xb9: {  	v45 =	vld [tilespmem:s11+$0x70];
	v7 =	vadd.f32 v7, v16;
	s4 =	smul.f32 $1.250000000e-01, s15  }
0xba: {  	v47 =	vld [tilespmem:s11+$0xFFFFFFC0];
	(xrf2) =	vadd.scan.msk.f32 $0xffff, v6  }
0xbb: {  	v49 =	vld [tilespmem:s11+$0xFFFFFFD0];
	v2 =	vpop (erf);
	(xrf2) =	vadd.scan.msk.f32 $0xffff, v7;
	v6 =	vmov s4  }
0xbc: {  	v51 =	vld [tilespmem:s11+$0x10];
	v1 =	vpop (erf);
	v6 =	vmul.f32 $1.442695020e+00, v6  }
0xbd: {  	v54 =	vld [tilespmem:s11+$0xFFFFFFA0];
	v17 =	vmul.f32 v1, v17  }
0xbe: {  	v56 =	vld [tilespmem:s11+$0xFFFFFFE0];
	v6 =	vbroadcast v6, $0x0  }
0xbf: {  	v15 =	vmul.f32 v2, v15;
	[tilespmem:s19+$0xFFFFFFB0] =	vst v17;
	v17 =	vld [tilespmem:s11+$0x40];
	s4 =	simm.s32 $0x5380  }
0xc0: {  	v0 =	vpop (erf);
	v16 =	vld [tilespmem:s4+$0x40];
	(erf) = vpow2.f32 v6  }
0xc1: {  	[tilespmem:s19+$0xFFFFFF60] =	vst v15;
	v15 =	vmul.f32 v0, v18;
	v18 =	vld [tilespmem:s4+$0x50]  }
0xc2: {  	v23, _, _ =	vpop (xrf2);
	v6 =	vld [tilespmem:s11+$0x50]  }
0xc3: {  	v34 =	vld [tilespmem:s11+$0x20];
	v12 =	vmul.f32 v4, v12;
	(v2sf) =	vpush v23, $0xF  }
0xc4: {  	s9 =	simm.s32 $0x9280;
	v23, _, _ =	vpop (xrf2);
	v20 =	vld [tilespmem:s4+$0x60]  }
0xc5: {  	[tilespmem:s18+$0xFFFFFF80] =	vst v12;
	v7 =	vld [tilespmem:s9+$0x40];
	(v2sf) =	vpush v23, $0xF;
	v46, _, _ =	vpop (xrf2)  }
0xc6: {  	v12 =	vld [tilespmem:s12+$0xFFFFFFB0];
	(v2sf) =	vpush v46, $0xF  }
0xc7: {  	v44 =	vld [tilespmem:s4+$0x70];
	v16 =	vmul.f32 v17, v16;
	v6 =	vmul.f32 v6, v18  }
0xc8: {  	v11 =	vld [tilespmem:s7+$0x70]  }
0xc9: {  	v19 =	vld [tilespmem:s12+$0x20];
	v6 =	vadd.f32 v6, v16;
	v16 =	vmul.f32 v22, v20;
	v22 =	vpop (erf)  }
0xca: {  	v13 =	vld [tilespmem:s7+$0xFFFFFF90];
	v7 =	vmul.f32 v22, v7  }
0xcb: {  	s10 =	simm.s32 $0x11320;
	v23 =	vld [tilespmem:s11+$0xFFFFFF80]  }
0xcc: {  	v48 =	vld [tilespmem:s4+$0xFFFFFFD0];
	v6 =	vadd.f32 v16, v6;
	v16 =	vmul.f32 v45, v44;
	[tilespmem:s10+$0x50] =	vst v7  }
0xcd: {  	v7 =	vld [tilespmem:s9+$0x50]  }
0xce: {  	v17 =	vld [tilespmem:s4+$0xFFFFFF90];
	v6 =	vadd.f32 v16, v6  }
0xcf: {  	v18 =	vld [tilespmem:s11+$0xFFFFFF90]  }
0xd0: {  	v20 =	vld [tilespmem:s4+$0xFFFFFFC0];
	(xrf2) =	vadd.scan.msk.f32 $0xffff, v6  }
0xd1: {  	v11 =	vmul.f32 v5, v11;
	v52 =	vld [tilespmem:s4+$0xFFFFFF80]  }
0xd2: {  	s8 =	spop (v2sf);
	v16 =	vld [tilespmem:s4+$0x0];
	v7 =	vmul.f32 v22, v7  }
0xd3: {  	[tilespmem:s19+$0x80] =	vst v11;
	s15 =	smul.f32 $1.250000000e-01, s8;
	v6 =	vld [tilespmem:s11+$0x0]  }
0xd4: {  	v10 =	vld [tilespmem:s7+$0xFFFFFFD0];
	v11 =	vmul.f32 v2, v13;
	s8 =	spop (v2sf);
	[tilespmem:s10+$0x60] =	vst v7  }
0xd5: {  	[tilespmem:s19+$0x0] =	vst v15;
	s8 =	smul.f32 $1.250000000e-01, s8;
	v17 =	vmul.f32 v18, v17;
	v18 =	vmul.f32 v47, v20;
	v20 =	vmov s15;
	s15 =	spop (v2sf);
	v7 =	vld [tilespmem:s9+$0x60]  }
0xd6: {  	v14 =	vmul.f32 v3, v14;
	v3 =	vnsel vm0, $0x0, v3;
	v15 =	vld [tilespmem:s7+$0x10];
	v24 =	vmul.f32 v49, v48;
	s15 =	smul.f32 $1.250000000e-01, s15  }
0xd7: {  	v50 =	vld [tilespmem:s4+$0x10];
	[tilespmem:s19+$0xFFFFFF70] =	vst v11;
	v11 =	vmul.f32 v23, v52;
	v57 =	vmov s8;
	v20 =	vmul.f32 $1.442695020e+00, v20  }
0xd8: {  	[tilespmem:s18+$0x90] =	vst v3;
	v53 =	vld [tilespmem:s4+$0xFFFFFFA0];
	v3 =	vmov s15;
	v6 =	vmul.f32 v6, v16;
	v16 =	vmul.f32 $1.442695020e+00, v57  }
0xd9: {  	[tilespmem:s18+$0x80] =	vst v14;
	v55 =	vld [tilespmem:s4+$0xFFFFFFE0];
	v14 =	vbroadcast v20, $0x0;
	v3 =	vmul.f32 $1.442695020e+00, v3  }
0xda: {  	v33 =	vld [tilespmem:s4+$0x20];
	v16 =	vbroadcast v16, $0x0;
	v58, _, _ =	vpop (xrf2);
	v7 =	vmul.f32 v22, v7  }
0xdb: {  	v59 =	vld [tilespmem:s4+$0xFFFFFFB0];
	(erf) = vpow2.f32 v14;
	v3 =	vbroadcast v3, $0x0;
	(v2sf) =	vpush v58, $0xF  }
0xdc: {  	v35 =	vld [tilespmem:s4+$0xFFFFFFF0];
	(erf) = vpow2.f32 v16;
	[tilespmem:s10+$0x70] =	vst v7;
	v7 =	vmul.f32 v9, v19  }
0xdd: {  	v5 =	vnsel vm0, $0x0, v5;
	v20 =	vld [tilespmem:s11+$0xFFFFFFB0];
	(erf) = vpow2.f32 v3;
	v3 =	vmul.f32 v1, v10  }
0xde: {  	v13 =	vadd.f32 v24, v18;
	v18 =	vld [tilespmem:s9+$0xFFFFFFC0];
	v10 =	vmul.f32 v0, v15;
	[tilespmem:s18+$0x20] =	vst v7;
	v7 =	vmul.f32 v51, v50  }
0xdf: {  	[tilespmem:s19+$0x90] =	vst v5;
	v14 =	vld [tilespmem:s11+$0xFFFFFFF0]  }
0xe0: {  	[tilespmem:s19+$0x10] =	vst v10;
	v10 =	vmul.f32 v54, v53;
	v5 =	vld [tilespmem:s9+$0x70];
	v6 =	vadd.f32 v7, v6;
	v7 =	vadd.f32 v17, v11  }
0xe1: {  	v21 =	vmul.f32 v8, v21;
	v16 =	vld [tilespmem:s4+$0x30];
	[tilespmem:s19+$0xFFFFFFC0] =	vst v3;
	v3 =	vmul.f32 v4, v12;
	v4 =	vnsel vm0, $0x0, v4  }
0xe2: {  	v23 =	vmul.f32 v34, v33;
	v15 =	vld [tilespmem:s9+$0xFFFFFF80];
	[tilespmem:s18+$0xFFFFFFA0] =	vst v4;
	v4 =	vadd.f32 v10, v7;
	v7 =	vmul.f32 v20, v59  }
0xe3: {  	v12 =	vnsel vm0, $0x0, v22;
	[tilespmem:s18+$0xFFFFFF90] =	vst v3;
	v3 =	vmul.f32 v56, v55;
	v19 =	vld [tilespmem:s11+$0x30]  }
0xe4: {  	[tilespmem:s18+$0xFFFFFFD0] =	vst v21;
	v21 =	vld [tilespmem:s9+$0x0];
	v23 =	vadd.f32 v23, v6;
	v6 =	vadd.f32 v7, v4  }
0xe5: {  	v60 =	vld [tilespmem:s7+$0xFFFFFFA0];
	v14 =	vmul.f32 v14, v35;
	v5 =	vmul.f32 v22, v5;
	v22 =	vadd.f32 v3, v13  }
0xe6: {  	v61 =	vld [tilespmem:s7+$0x20];
	[tilespmem:s10+$0x90] =	vst v12;
	v12 =	vpop (erf);
	(xrf2) =	vadd.scan.msk.f32 $0xffff, v6  }
0xe7: {  	v62 =	vld [tilespmem:s12+$0xFFFFFFF0];
	v17 =	vnsel vm0, $0x0, v8;
	v3 =	vpop (erf);
	v13 =	vmul.f32 v12, v15;
	v22 =	vadd.f32 v14, v22  }
0xe8: {  	[tilespmem:s18+$0xFFFFFFF0] =	vst v17;
	v20 =	vld [tilespmem:s7+$0xFFFFFFE0];
	v15 =	vmul.f32 v3, v18;
	v18 =	vmul.f32 v19, v16  }
0xe9: {  	[tilespmem:s10+$0x80] =	vst v5;
	v4 =	vpop (erf);
	(xrf2) =	vadd.scan.msk.f32 $0xffff, v22  }
0xea: {  	[tilespmem:s10+$0xFFFFFF60] =	vst v13;
	v23 =	vadd.f32 v18, v23;
	s15 =	spop (v2sf);
	v17 =	vmul.f32 v4, v21;
	v21 =	vld [tilespmem:s12+$0x30]  }
0xeb: {  	v25 =	vmul.f32 v0, v61;
	v11 =	vnsel vm0, $0x0, v2;
	v19 =	vmul.f32 v2, v60;
	v16 =	vld [tilespmem:s9+$0xFFFFFF90];
	[tilespmem:s10+$0xFFFFFFB0] =	vst v15;
	s4 =	smul.f32 $1.250000000e-01, s15  }
0xec: {  	v10 =	vnsel vm0, $0x0, v9;
	v7 =	vnsel vm0, $0x0, v1;
	v15 =	vld [tilespmem:s9+$0xFFFFFFD0];
	(xrf2) =	vadd.scan.msk.f32 $0xffff, v23;
	[tilespmem:s10+$0x0] =	vst v17  }
0xed: {  	v5 =	vnsel vm0, $0x0, v0;
	[tilespmem:s19+$0xFFFFFF80] =	vst v19;
	v63 =	vmul.f32 v1, v20;
	v18 =	vmov s4;
	v17 =	vld [tilespmem:s9+$0x10]  }
0xee: {  	[tilespmem:s19+$0x20] =	vst v25;
	v13 =	vnsel vm0, $0x0, v12;
	v19 =	vmul.f32 v8, v62;
	s12 =	simm.s32 $0x9380;
	v20 =	vmul.f32 $1.442695020e+00, v18;
	v18 =	vld [tilespmem:s7+$0xFFFFFFB0]  }
0xef: {  	v6 =	vnsel vm0, $0x0, v3;
	v14 =	vnsel vm0, $0x0, v4;
	v8 =	vld [tilespmem:s12+$0x40];
	s15 =	simm.s32 $0x5480;
	[tilespmem:s19+$0xFFFFFFD0] =	vst v63;
	s4 =	simm.s32 $0xC;
	v9 =	vmul.f32 v9, v21  }
.LBB2_3:
0xf0: {  	v21 =	vld [tilespmem:s15+$0x40];
	v23 =	vbroadcast v20, $0x0;
	s11 =	sadd.s32 $0x100, s11;
	v22, _, _ =	vpop (xrf2);
	v16 =	vmul.f32 v12, v16;
	[tilespmem:s18+$0xFFFFFFE0] =	vst v19  }
0xf1: {  	v19 =	vld [tilespmem:s11+$0x40];
	(v2sf) =	vpush v22, $0xF;
	v15 =	vmul.f32 v3, v15;
	[tilespmem:s18+$0x30] =	vst v9  }
0xf2: {  	v9 =	vld [tilespmem:s15+$0x50];
	(erf) = vpow2.f32 v23;
	[tilespmem:s10+$0xFFFFFF70] =	vst v16;
	v16 =	vmul.f32 v4, v17  }
0xf3: {  	s4 =	sadd.s32 $0x4, s4;
	v17 =	vld [tilespmem:s11+$0x50];
	v20, _, _ =	vpop (xrf2);
	[tilespmem:s10+$0xFFFFFFC0] =	vst v15;
	v15 =	vmul.f32 v2, v18;
	v2 =	vmov v12  }
0xf4: {  	p0 =	slt.u32 s4, $0x7C;
	v12 =	vld [tilespmem:s15+$0x60];
	(v2sf) =	vpush v20, $0xF;
	[tilespmem:s10+$0x10] =	vst v16  }
0xf5: {  	v16 =	vld [tilespmem:s11+$0x60];
	[tilespmem:s19+$0xFFFFFF90] =	vst v15  }
0xf6: {  	v15 =	vld [tilespmem:s15+$0x70];
	v18, _, _ =	vpop (xrf2);
	[tilespmem:s19+$0xFFFFFFA0] =	vst v11;
	v11 =	vmov v13  }
0xf7: {  	v13 =	vld [tilespmem:s11+$0x70];
	(v2sf) =	vpush v18, $0xF;
	[tilespmem:s18+$0x40] =	vst v10;
	v10 =	vmov v5;
	v5 =	vmov v14;
	s18 =	smov.u32 s19;
	s19 =	smov.u32 s10  }
0xf8: {  	v20 =	vmul.f32 v19, v21;
	v14 =	vld [tilespmem:s11+$0xFFFFFF80];
	v9 =	vmul.f32 v17, v9  }
0xf9: {  	v17 =	vld [tilespmem:s15+$0xFFFFFF90]  }
0xfa: {  	v19 =	vld [tilespmem:s11+$0xFFFFFF90];
	v9 =	vadd.f32 v9, v20;
	v12 =	vmul.f32 v16, v12  }
0xfb: {  	v16 =	vld [tilespmem:s15+$0xFFFFFFC0];
	v18 =	vpop (erf)  }
0xfc: {  	v20 =	vld [tilespmem:s11+$0xFFFFFFC0];
	v9 =	vadd.f32 v12, v9;
	v12 =	vmul.f32 v13, v15;
	v8 =	vmul.f32 v18, v8  }
0xfd: {  	s10 =	sadd.s32 $0x140, s10;
	v15 =	vnsel vm0, $0x0, v18;
	v13 =	vld [tilespmem:s15+$0xFFFFFFD0]  }
0xfe: {  	v21 =	vld [tilespmem:s11+$0xFFFFFFD0];
	v9 =	vadd.f32 v12, v9;
	[tilespmem:s10+$0x50] =	vst v8  }
0xff: {  	v8 =	vmul.f32 v19, v17;
	v12 =	vld [tilespmem:s12+$0x50]  }
0x100: {  	v17 =	vld [tilespmem:s15+$0x0];
	(xrf2) =	vadd.scan.msk.f32 $0xffff, v9;
	s8 =	spop (v2sf)  }
0x101: {  	v9 =	vmul.f32 v20, v16;
	v16 =	vld [tilespmem:s11+$0x0];
	s8 =	smul.f32 $1.250000000e-01, s8  }
0x102: {  	v19 =	vld [tilespmem:s15+$0x10]  }
0x103: {  	v13 =	vmul.f32 v21, v13;
	v20 =	vld [tilespmem:s11+$0x10];
	v21 =	vmov s8;
	s8 =	spop (v2sf)  }
0x104: {  	v22 =	vld [tilespmem:s15+$0xFFFFFF80];
	v21 =	vmul.f32 $1.442695020e+00, v21;
	s8 =	smul.f32 $1.250000000e-01, s8;
	v12 =	vmul.f32 v18, v12  }
0x105: {  	v23 =	vld [tilespmem:s15+$0xFFFFFFA0];
	v9 =	vadd.f32 v13, v9  }
0x106: {  	v13 =	vld [tilespmem:s11+$0xFFFFFFA0];
	v16 =	vmul.f32 v16, v17;
	v17 =	vbroadcast v21, $0x0;
	v21 =	vmov s8;
	[tilespmem:s10+$0x60] =	vst v12;
	s8 =	spop (v2sf)  }
0x107: {  	v12 =	vmul.f32 $1.442695020e+00, v21;
	s8 =	smul.f32 $1.250000000e-01, s8;
	v21 =	vld [tilespmem:s12+$0x60]  }
0x108: {  	v24 =	vld [tilespmem:s15+$0xFFFFFFE0];
	v19 =	vmul.f32 v20, v19;
	(erf) = vpow2.f32 v17  }
0x109: {  	v14 =	vmul.f32 v14, v22;
	v17 =	vld [tilespmem:s11+$0xFFFFFFE0];
	v12 =	vbroadcast v12, $0x0;
	v20 =	vmov s8  }
0x10a: {  	v16 =	vadd.f32 v19, v16;
	v19 =	vld [tilespmem:s15+$0x20];
	v22, _, _ =	vpop (xrf2);
	v20 =	vmul.f32 $1.442695020e+00, v20  }
0x10b: {  	v8 =	vadd.f32 v8, v14;
	v13 =	vmul.f32 v13, v23;
	v14 =	vld [tilespmem:s11+$0x20];
	(v2sf) =	vpush v22, $0xF  }
0x10c: {  	v22 =	vld [tilespmem:s15+$0xFFFFFFB0];
	v20 =	vbroadcast v20, $0x0;
	v21 =	vmul.f32 v18, v21  }
0x10d: {  	v8 =	vadd.f32 v13, v8;
	v13 =	vld [tilespmem:s11+$0xFFFFFFB0];
	(erf) = vpow2.f32 v12  }
0x10e: {  	v23 =	vmul.f32 v17, v24;
	v17 =	vld [tilespmem:s15+$0xFFFFFFF0];
	[tilespmem:s10+$0x70] =	vst v21;
	(erf) = vpow2.f32 v20  }
0x10f: {  	v20 =	vld [tilespmem:s12+$0x70];
	[tilespmem:s10+$0x90] =	vst v15  }
0x110: {  	v9 =	vadd.f32 v23, v9;
	v15 =	vld [tilespmem:s11+$0xFFFFFFF0];
	v14 =	vmul.f32 v14, v19  }
0x111: {  	v19 =	vld [tilespmem:s15+$0x30];
	v12 =	vpop (erf)  }
0x112: {  	v21 =	vmul.f32 v13, v22;
	v16 =	vadd.f32 v14, v16;
	v14 =	vld [tilespmem:s11+$0x30];
	v13 =	vnsel vm0, $0x0, v12  }
0x113: {  	v22 =	vld [tilespmem:s12+$0xFFFFFF80]  }
0x114: {  	v24 =	vadd.f32 v21, v8;
	v21 =	vld [tilespmem:s12+$0xFFFFFFC0];
	v18 =	vmul.f32 v18, v20  }
0x115: {  	v15 =	vmul.f32 v15, v17;
	v17 =	vld [tilespmem:s12+$0x0]  }
0x116: {  	(xrf2) =	vadd.scan.msk.f32 $0xffff, v24;
	[tilespmem:s10+$0x80] =	vst v18;
	v8 =	vpop (erf);
	v18 =	vld [tilespmem:s9+$0xFFFFFFA0]  }
0x117: {  	v9 =	vadd.f32 v15, v9;
	v15 =	vmul.f32 v14, v19;
	v19 =	vnsel vm0, $0x0, v8;
	v23 =	vpop (erf);
	v20 =	vld [tilespmem:s9+$0xFFFFFFE0]  }
0x118: {  	v22 =	vmul.f32 v12, v22;
	v14 =	vnsel vm0, $0x0, v23;
	v24 =	vld [tilespmem:s9+$0x20]  }
0x119: {  	v15 =	vadd.f32 v15, v16;
	(xrf2) =	vadd.scan.msk.f32 $0xffff, v9;
	v9 =	vmul.f32 v8, v21;
	v21 =	vld [tilespmem:s7+$0xFFFFFFF0];
	[tilespmem:s18+$0xFFFFFFF0] =	vst v7;
	v7 =	vmovc v6  }
0x11a: {  	s8 =	spop (v2sf)  }
0x11b: {  	v6 =	vmov v19;
	[tilespmem:s10+$0xFFFFFF60] =	vst v22;
	v17 =	vmul.f32 v23, v17;
	v22 =	vld [tilespmem:s7+$0x30];
	s7 =	smov.u32 s9;
	s9 =	smov.u32 s12;
	s8 =	smul.f32 $1.250000000e-01, s8  }
.Ltmp0:
0x11c: {  	v16 =	vld [tilespmem:s12+$0xFFFFFF90];
	[tilespmem:s10+$0xFFFFFFB0] =	vst v9;
	v9 =	vmul.f32 v2, v18;
	(pc) =	sbr.rel @p0 .LBB2_3-.Ltmp0, $4  }
0x11d: {  	(xrf2) =	vadd.scan.msk.f32 $0xffff, v15;
	v15 =	vld [tilespmem:s12+$0xFFFFFFD0];
	[tilespmem:s10+$0x0] =	vst v17;
	v19 =	vmul.f32 v3, v20  }
0x11e: {  	v18 =	vmov s8;
	v17 =	vld [tilespmem:s12+$0x10];
	[tilespmem:s19+$0xFFFFFF80] =	vst v9;
	v9 =	vmul.f32 v4, v24  }
0x11f: {  	s12 =	sadd.s32 $0x100, s12;
	v20 =	vmul.f32 $1.442695020e+00, v18;
	v18 =	vld [tilespmem:s7+$0xFFFFFFB0];
	[tilespmem:s19+$0xFFFFFFD0] =	vst v19;
	v19 =	vmul.f32 v1, v21;
	v1 =	vmovc v3;
	v3 =	vmov v8  }
0x120: {  	s15 =	sadd.s32 $0x100, s15;
	v8 =	vld [tilespmem:s12+$0x40];
	[tilespmem:s19+$0x20] =	vst v9;
	v9 =	vmul.f32 v0, v22;
	v0 =	vmov v4;
	v4 =	vmov v23  }
0x121: {  	v21, _, _ =	vpop (xrf2)  }
0x122: {  	v20 =	vbroadcast v20, $0x0;
	(v2sf) =	vpush v21, $0xF;
	_ =	sdelay $0x2  }
0x123: {  	(erf) = vpow2.f32 v20  }
0x124: {  	v20, _, _ =	vpop (xrf2)  }
0x125: {  	(v2sf) =	vpush v20, $0xF;
	v20, _, _ =	vpop (xrf2)  }
0x126: {  	(v2sf) =	vpush v20, $0xF;
	_ =	sdelay $0x5  }
0x127: {  	v20 =	vpop (erf)  }
0x128: {  	v8 =	vmul.f32 v20, v8  }
0x129: {  	s4 =	sadd.s32 $0x140, s10  }
0x12a: {  	[tilespmem:s4+$0x50] =	vst v8;
	s8 =	spop (v2sf)  }
0x12b: {  	v8 =	vld [tilespmem:s12+$0x50];
	s8 =	smul.f32 $1.250000000e-01, s8;
	_ =	sdelay $0x1  }
0x12c: {  	v21 =	vmov s8  }
0x12d: {  	v21 =	vmul.f32 $1.442695020e+00, v21  }
0x12e: {  	s15 =	spop (v2sf)  }
0x12f: {  	v8 =	vmul.f32 v20, v8;
	s8 =	smul.f32 $1.250000000e-01, s15;
	s11 =	spop (v2sf);
	v21 =	vbroadcast v21, $0x0  }
0x130: {  	s11 =	smul.f32 $1.250000000e-01, s11  }
0x131: {  	[tilespmem:s4+$0x60] =	vst v8;
	v22 =	vmov s8;
	(erf) = vpow2.f32 v21  }
0x132: {  	v8 =	vmul.f32 $1.442695020e+00, v22;
	v22 =	vld [tilespmem:s12+$0x60];
	v21 =	vmov s11  }
0x133: {  	v21 =	vmul.f32 $1.442695020e+00, v21  }
0x134: {  	v8 =	vbroadcast v8, $0x0  }
0x135: {  	v16 =	vmul.f32 v12, v16;
	v21 =	vbroadcast v21, $0x0  }
0x136: {  	[tilespmem:s18+$0x30] =	vst v9;
	v9 =	vld [tilespmem:s12+$0xFFFFFF80];
	v15 =	vmul.f32 v3, v15;
	(erf) = vpow2.f32 v8  }
0x137: {  	[tilespmem:s18+$0xFFFFFFE0] =	vst v19;
	v8 =	vmul.f32 v20, v22;
	(erf) = vpow2.f32 v21  }
0x138: {  	[tilespmem:s10+$0xFFFFFF70] =	vst v16  }
0x139: {  	v16 =	vmul.f32 v4, v17;
	[tilespmem:s4+$0x70] =	vst v8  }
0x13a: {  	[tilespmem:s10+$0xFFFFFFC0] =	vst v15;
	v2 =	vmul.f32 v2, v18;
	v8 =	vld [tilespmem:s12+$0x70];
	v15 =	vpop (erf)  }
0x13b: {  	[tilespmem:s10+$0x10] =	vst v16;
	v16 =	vld [tilespmem:s12+$0xFFFFFFC0];
	v9 =	vmul.f32 v15, v9  }
0x13c: {  	[tilespmem:s19+$0xFFFFFF90] =	vst v2;
	v2 =	vld [tilespmem:s12+$0x0]  }
0x13d: {  	[tilespmem:s4+$0xFFFFFF60] =	vst v9;
	v9 =	vnsel vm0, $0x0, v20  }
0x13e: {  	[tilespmem:s19+$0xFFFFFFA0] =	vst v11;
	v19 =	vld [tilespmem:s7+$0xFFFFFFF0]  }
0x13f: {  	[tilespmem:s18+$0x40] =	vst v10;
	v11 =	vld [tilespmem:s9+$0xFFFFFFA0];
	v8 =	vmul.f32 v20, v8;
	v10 =	vpop (erf)  }
0x140: {  	v17 =	vld [tilespmem:s12+$0xFFFFFF90];
	[tilespmem:s4+$0x90] =	vst v9;
	v16 =	vmul.f32 v10, v16;
	v9 =	vpop (erf)  }
0x141: {  	[tilespmem:s4+$0x80] =	vst v8;
	v8 =	vld [tilespmem:s9+$0x20];
	v2 =	vmul.f32 v9, v2  }
0x142: {  	v18 =	vld [tilespmem:s9+$0xFFFFFFE0];
	[tilespmem:s4+$0xFFFFFFB0] =	vst v16  }
0x143: {  	v1 =	vmul.f32 v1, v19;
	v16 =	vld [tilespmem:s12+$0xFFFFFFD0];
	[tilespmem:s4+$0x0] =	vst v2  }
0x144: {  	[tilespmem:s19+$0xFFFFFFF0] =	vst v7;
	v11 =	vmul.f32 v12, v11;
	v2 =	vld [tilespmem:s12+$0x10]  }
0x145: {  	[tilespmem:s19+$0xFFFFFFE0] =	vst v1;
	v7 =	vmul.f32 v15, v17;
	v17 =	vld [tilespmem:s7+$0x30]  }
0x146: {  	[tilespmem:s10+$0xFFFFFF80] =	vst v11;
	v8 =	vmul.f32 v4, v8  }
0x147: {  	v18 =	vmul.f32 v3, v18;
	v11 =	vld [tilespmem:s9+$0xFFFFFFB0];
	[tilespmem:s4+$0xFFFFFF70] =	vst v7  }
0x148: {  	v7 =	vld [tilespmem:s12+$0xFFFFFFA0];
	[tilespmem:s10+$0x20] =	vst v8;
	v8 =	vmul.f32 v10, v16  }
0x149: {  	[tilespmem:s10+$0xFFFFFFD0] =	vst v18;
	v1 =	vmul.f32 v9, v2  }
0x14a: {  	v0 =	vmul.f32 v0, v17;
	[tilespmem:s4+$0xFFFFFFC0] =	vst v8  }
0x14b: {  	[tilespmem:s4+$0x10] =	vst v1;
	v1 =	vld [tilespmem:s12+$0xFFFFFFE0]  }
0x14c: {  	v2 =	vmul.f32 v12, v11;
	[tilespmem:s19+$0x30] =	vst v0;
	v0 =	vld [tilespmem:s12+$0x20]  }
0x14d: {  	[tilespmem:s10+$0xFFFFFFA0] =	vst v13;
	v7 =	vmul.f32 v15, v7  }
0x14e: {  	[tilespmem:s10+$0xFFFFFF90] =	vst v2;
	v2 =	vld [tilespmem:s9+$0xFFFFFFF0]  }
0x14f: {  	v8 =	vld [tilespmem:s9+$0x30];
	[tilespmem:s4+$0xFFFFFF80] =	vst v7  }
0x150: {  	[tilespmem:s19+$0x40] =	vst v5;
	v7 =	vld [tilespmem:s12+$0xFFFFFFB0];
	v1 =	vmul.f32 v10, v1  }
0x151: {  	[tilespmem:s10+$0x40] =	vst v14;
	v0 =	vmul.f32 v9, v0  }
0x152: {  	[tilespmem:s4+$0xFFFFFFD0] =	vst v1  }
0x153: {  	v1 =	vmul.f32 v3, v2;
	[tilespmem:s4+$0x20] =	vst v0;
	v2 =	vld [tilespmem:s12+$0xFFFFFFF0]  }
0x154: {  	[tilespmem:s10+$0xFFFFFFF0] =	vst v6;
	v0 =	vmul.f32 v4, v8;
	v3 =	vld [tilespmem:s12+$0x30]  }
0x155: {  	[tilespmem:s10+$0xFFFFFFE0] =	vst v1;
	v1 =	vmul.f32 v15, v7  }
0x156: {  	[tilespmem:s10+$0x30] =	vst v0  }
0x157: {  	v0 =	vnsel vm0, $0x0, v15;
	[tilespmem:s4+$0xFFFFFF90] =	vst v1  }
0x158: {  	[tilespmem:s4+$0xFFFFFFA0] =	vst v0;
	v0 =	vnsel vm0, $0x0, v10;
	v1 =	vmul.f32 v10, v2  }
0x159: {  	[tilespmem:s4+$0xFFFFFFF0] =	vst v0;
	v0 =	vmul.f32 v9, v3  }
0x15a: {  	[tilespmem:s4+$0xFFFFFFE0] =	vst v1  }
0x15b: {  	v1 =	vnsel vm0, $0x0, v9;
	[tilespmem:s4+$0x30] =	vst v0  }
0x15c: {  	s19 =	sand.u32 $0x3FFFFF00, s17;
	[tilespmem:s4+$0x40] =	vst v1  }
0x15d: {  	[spmem:s3] =	stream.indirect.scatter.add.f32 [tilespmem:s26], [sflag:$0x7], $0x50, s19, s16, $0xb8;
	[tilespmem:$0x1FD80] =	vst v63  }
0x15e: {  	_ =	swait.ge [sflag:s14], $0x2800  }
0x15f: {  	[sflag:s14] =	ssyncset.done $0x0  }
0x160: {  	[sflag:s14] =	ssyncadd.s32 $0xFFFFD800  }
0x161: {  	_ =	swait.ge [sflag:s28], $0x2000  }
0x162: {  	[sflag:s28] =	ssyncset.done $0x0  }
0x163: {  	[sflag:s28] =	ssyncadd.s32 $0xFFFFE000  }
0x164: {  	_ =	swait.ge [sflag:s29], $0x2000  }
0x165: {  	[sflag:s29] =	ssyncset.done $0x0  }
0x166: {  	[sflag:s29] =	ssyncadd.s32 $0xFFFFE000  }
0x167: {  	p0 =	seq.s32 s2, $0x27;
	_ =	swait.ge [sflag:s30], $0x2000  }
0x168: {  	s8 =	simm.s32 @!p0 $0x5000;
	[sflag:s30] =	ssyncset.done $0x0  }
0x169: {  	s7 =	simm.s32 @!p0 $0x80;
	s4 =	sadd.s32 @!p0 $0x100, s17;
	[sflag:s30] =	ssyncadd.s32 $0xFFFFE000  }
0x16a: {  	[tilespmem:s8], [sflag:$0x1] =	stream.indirect.gather @!p0 [hbm4b:s1+s7], $0x40, s4, s7, $0xb8;
	[tilespmem:$0x1FD80] =	vst v63  }
0x16b: {  	s4 =	sadd.s32 @!p0 $0x2900, s17;
	s8 =	simm.s32 @!p0 $0x7000  }
0x16c: {  	[tilespmem:s8], [sflag:$0x2] =	stream.indirect.gather @!p0 [hbm4b:s5+s7], $0x40, s4, s7, $0xb8;
	[tilespmem:$0x1FD80] =	vst v63  }
0x16d: {  	s8 =	simm.s32 @!p0 $0x9000  }
0x16e: {  	[tilespmem:s8], [sflag:$0x3] =	stream.indirect.gather @!p0 [hbm4b:s6+s7], $0x40, s4, s7, $0xb8;
	[tilespmem:$0x1FD80] =	vst v63  }
0x16f: {  	s7 =	simm.s32 $0xB080  }
0x170: {  	s8 =	simm.s32 $0xD080;
	v0 =	vld [tilespmem:s7+$0x40]  }
0x171: {  	v1 =	vld [tilespmem:s8+$0x40]  }
0x172: {  	v2 =	vld [tilespmem:s7+$0x50]  }
0x173: {  	v3 =	vld [tilespmem:s8+$0x50]  }
0x174: {  	v4 =	vld [tilespmem:s7+$0x60]  }
0x175: {  	v5 =	vld [tilespmem:s8+$0x60]  }
0x176: {  	v6 =	vld [tilespmem:s7+$0x70]  }
0x177: {  	v7 =	vld [tilespmem:s8+$0x70]  }
0x178: {  	v0 =	vmul.f32 v1, v0;
	v1 =	vmul.f32 v3, v2;
	_ =	sdelay $0x1  }
0x179: {  	v0 =	vadd.f32 v1, v0;
	v1 =	vmul.f32 v5, v4;
	_ =	sdelay $0x1  }
0x17a: {  	v8 =	vld [tilespmem:s8+$0x0];
	v0 =	vadd.f32 v1, v0;
	v1 =	vmul.f32 v7, v6  }
0x17b: {  	v9 =	vld [tilespmem:s7+$0x10]  }
0x17c: {  	v10 =	vld [tilespmem:s8+$0x10];
	v0 =	vadd.f32 v1, v0  }
0x17d: {  	v11 =	vld [tilespmem:s7+$0xFFFFFF80]  }
0x17e: {  	v12 =	vld [tilespmem:s7+$0xFFFFFFA0];
	(xrf2) =	vadd.scan.msk.f32 $0xffff, v0  }
0x17f: {  	v13 =	vld [tilespmem:s8+$0xFFFFFFA0]  }
0x180: {  	v14 =	vld [tilespmem:s7+$0xFFFFFFE0]  }
0x181: {  	v16 =	vld [tilespmem:s8+$0xFFFFFFE0]  }
0x182: {  	v17 =	vld [tilespmem:s8+$0x20]  }
0x183: {  	v18 =	vld [tilespmem:s7+$0xFFFFFFB0]  }
0x184: {  	v19 =	vld [tilespmem:s8+$0xFFFFFFB0]  }
0x185: {  	v2 =	vld [tilespmem:s8+$0xFFFFFF80]  }
0x186: {  	v3 =	vld [tilespmem:s7+$0xFFFFFF90]  }
0x187: {  	v4 =	vld [tilespmem:s8+$0xFFFFFF90]  }
0x188: {  	v5 =	vld [tilespmem:s8+$0xFFFFFFC0];
	v15, _, _ =	vpop (xrf2)  }
0x189: {  	v6 =	vld [tilespmem:s8+$0xFFFFFFD0];
	(v2sf) =	vpush v15, $0xF  }
0x18a: {  	v1 =	vld [tilespmem:s7+$0xFFFFFFC0]  }
0x18b: {  	v0 =	vld [tilespmem:s7+$0xFFFFFFD0]  }
0x18c: {  	v7 =	vld [tilespmem:s7+$0x0]  }
0x18d: {  	v20 =	vld [tilespmem:s7+$0xFFFFFFF0];
	v2 =	vmul.f32 v2, v11;
	v3 =	vmul.f32 v4, v3  }
0x18e: {  	v4 =	vld [tilespmem:s8+$0xFFFFFFF0]  }
0x18f: {  	v2 =	vadd.f32 v3, v2;
	v3 =	vmul.f32 v13, v12;
	v15 =	vld [tilespmem:s7+$0x20]  }
0x190: {  	v1 =	vmul.f32 v5, v1;
	v5 =	vld [tilespmem:s7+$0x30];
	v0 =	vmul.f32 v6, v0  }
0x191: {  	v6 =	vmul.f32 v8, v7;
	v7 =	vmul.f32 v10, v9;
	v8 =	vld [tilespmem:s8+$0x30]  }
0x192: {  	v2 =	vadd.f32 v3, v2;
	v0 =	vadd.f32 v0, v1  }
0x193: {  	v1 =	vadd.f32 v7, v6;
	v6 =	vmul.f32 v16, v14;
	v7 =	vmul.f32 v19, v18  }
0x194: {  	v3 =	vmul.f32 v17, v15  }
0x195: {  	v4 =	vmul.f32 v4, v20;
	v0 =	vadd.f32 v6, v0;
	v2 =	vadd.f32 v7, v2  }
0x196: {  	v1 =	vadd.f32 v3, v1;
	v3 =	vmul.f32 v8, v5  }
0x197: {  	v0 =	vadd.f32 v4, v0;
	(xrf2) =	vadd.scan.msk.f32 $0xffff, v2  }
0x198: {  	v1 =	vadd.f32 v3, v1;
	s9 =	spop (v2sf)  }
0x199: {  	(xrf2) =	vadd.scan.msk.f32 $0xffff, v0;
	s10 =	smul.f32 $1.250000000e-01, s9  }
0x19a: {  	s7 =	simm.s32 $0xD180;
	(xrf2) =	vadd.scan.msk.f32 $0xffff, v1  }
0x19b: {  	v2 =	vld [tilespmem:s7+$0x40];
	v0 =	vmov s10  }
0x19c: {  	s4 =	simm.s32 $0xB180;
	v4 =	vld [tilespmem:s7+$0x50];
	v0 =	vmul.f32 $1.442695020e+00, v0  }
0x19d: {  	v3 =	vld [tilespmem:s4+$0x50]  }
0x19e: {  	v1 =	vld [tilespmem:s4+$0x40];
	v0 =	vbroadcast v0, $0x0  }
0x19f: {  	v5 =	vld [tilespmem:s4+$0x60]  }
0x1a0: {  	(erf) = vpow2.f32 v0;
	v0 =	vld [tilespmem:s7+$0x60]  }
0x1a1: {  	v6 =	vld [tilespmem:s4+$0x70];
	v7, _, _ =	vpop (xrf2)  }
0x1a2: {  	v8 =	vld [tilespmem:s7+$0x70];
	(v2sf) =	vpush v7, $0xF  }
0x1a3: {  	v7, _, _ =	vpop (xrf2);
	v1 =	vmul.f32 v2, v1;
	v2 =	vmul.f32 v4, v3  }
0x1a4: {  	(v2sf) =	vpush v7, $0xF;
	v3, _, _ =	vpop (xrf2)  }
0x1a5: {  	v1 =	vadd.f32 v2, v1;
	(v2sf) =	vpush v3, $0xF;
	v0 =	vmul.f32 v0, v5  }
0x1a6: {  	v21 =	vld [tilespmem:s4+$0x20]  }
0x1a7: {  	v23 =	vld [tilespmem:s4+$0xFFFFFFB0];
	v0 =	vadd.f32 v0, v1;
	v1 =	vmul.f32 v8, v6  }
0x1a8: {  	v11 =	vld [tilespmem:s4+$0x10]  }
0x1a9: {  	v13 =	vld [tilespmem:s4+$0xFFFFFF80];
	v0 =	vadd.f32 v1, v0  }
0x1aa: {  	v9 =	vld [tilespmem:s4+$0x0]  }
0x1ab: {  	v14 =	vld [tilespmem:s4+$0xFFFFFFA0];
	(xrf2) =	vadd.scan.msk.f32 $0xffff, v0  }
0x1ac: {  	v10 =	vld [tilespmem:s7+$0x0]  }
0x1ad: {  	v12 =	vld [tilespmem:s7+$0x10]  }
0x1ae: {  	v20 =	vld [tilespmem:s7+$0xFFFFFFE0]  }
0x1af: {  	v22 =	vld [tilespmem:s7+$0x20]  }
0x1b0: {  	v15 =	vld [tilespmem:s7+$0xFFFFFFA0]  }
0x1b1: {  	s12 =	simm.s32 $0xF080;
	v7 =	vld [tilespmem:s4+$0xFFFFFFC0];
	s11 =	spop (v2sf)  }
0x1b2: {  	v4 =	vld [tilespmem:s12+$0x40];
	s8 =	smul.f32 $1.250000000e-01, s11  }
0x1b3: {  	v5 =	vld [tilespmem:s4+$0xFFFFFF90];
	s15 =	spop (v2sf)  }
0x1b4: {  	s9 =	smul.f32 $1.250000000e-01, s15;
	v16 =	vmov s8;
	v6 =	vld [tilespmem:s7+$0xFFFFFF90];
	s18 =	spop (v2sf)  }
0x1b5: {  	v8 =	vld [tilespmem:s4+$0xFFFFFFD0];
	v16 =	vmul.f32 $1.442695020e+00, v16;
	s19 =	smul.f32 $1.250000000e-01, s18;
	v18, _, _ =	vpop (xrf2)  }
0x1b6: {  	v19 =	vmov s9;
	v1 =	vld [tilespmem:s7+$0xFFFFFFC0];
	(v2sf) =	vpush v18, $0xF  }
0x1b7: {  	v3 =	vpop (erf);
	v16 =	vbroadcast v16, $0x0;
	v0 =	vld [tilespmem:s7+$0xFFFFFFD0];
	v18 =	vmul.f32 $1.442695020e+00, v19;
	v19 =	vmov s19  }
0x1b8: {  	v17 =	vld [tilespmem:s4+$0xFFFFFFE0];
	v4 =	vmul.f32 v3, v4;
	v19 =	vmul.f32 $1.442695020e+00, v19  }
0x1b9: {  	v2 =	vld [tilespmem:s7+$0xFFFFFF80];
	(erf) = vpow2.f32 v16;
	v18 =	vbroadcast v18, $0x0  }
0x1ba: {  	v5 =	vmul.f32 v6, v5;
	v6 =	vld [tilespmem:s4+$0x30];
	v16 =	vbroadcast v19, $0x0  }
0x1bb: {  	v1 =	vmul.f32 v1, v7;
	(erf) = vpow2.f32 v18;
	v18 =	vld [tilespmem:s4+$0xFFFFFFF0]  }
0x1bc: {  	s17 =	simm.s32 $0x110A0;
	v0 =	vmul.f32 v0, v8;
	(erf) = vpow2.f32 v16;
	v16 =	vld [tilespmem:s7+$0xFFFFFFF0]  }
0x1bd: {  	[tilespmem:s17+$0x50] =	vst v4;
	v8 =	vmul.f32 v10, v9;
	v9 =	vmul.f32 v12, v11;
	v19 =	vld [tilespmem:s7+$0xFFFFFFB0]  }
0x1be: {  	v2 =	vmul.f32 v2, v13;
	v4 =	vld [tilespmem:s12+$0x50]  }
0x1bf: {  	v7 =	vld [tilespmem:s7+$0x30];
	v0 =	vadd.f32 v0, v1;
	v8 =	vadd.f32 v9, v8;
	v9 =	vmul.f32 v20, v17  }
0x1c0: {  	v10 =	vld [tilespmem:s12+$0xFFFFFF80];
	v1 =	vadd.f32 v5, v2;
	v2 =	vmul.f32 v15, v14  }
0x1c1: {  	v12 =	vld [tilespmem:s12+$0x0];
	v0 =	vadd.f32 v9, v0;
	v9 =	vmul.f32 v16, v18  }
0x1c2: {  	v11 =	vmul.f32 v22, v21;
	v1 =	vadd.f32 v2, v1;
	v2 =	vmul.f32 v19, v23  }
0x1c3: {  	v5 =	vld [tilespmem:s12+$0xFFFFFFC0];
	v13 =	vmul.f32 v3, v4;
	v4 =	vpop (erf)  }
0x1c4: {  	v11 =	vadd.f32 v11, v8;
	v1 =	vadd.f32 v2, v1;
	v2 =	vmul.f32 v7, v6;
	v8 =	vpop (erf)  }
0x1c5: {  	v6 =	vmul.f32 v4, v10;
	v0 =	vadd.f32 v9, v0;
	v9 =	vpop (erf);
	s9 =	spop (v2sf)  }
0x1c6: {  	[tilespmem:s17+$0x60] =	vst v13;
	s7 =	simm.s32 $0xF180;
	(xrf2) =	vadd.scan.msk.f32 $0xffff, v1;
	v1 =	vadd.f32 v2, v11;
	v2 =	vmul.f32 v9, v12;
	s4 =	smul.f32 $1.250000000e-01, s9  }
0x1c7: {  	v17 =	vld [tilespmem:s7+$0x40];
	[tilespmem:s17+$0xFFFFFF60] =	vst v6  }
0x1c8: {  	v7 =	vld [tilespmem:s12+$0x60];
	v5 =	vmul.f32 v8, v5;
	[tilespmem:s17+$0x0] =	vst v2;
	v2 =	vmov s4  }
0x1c9: {  	(xrf2) =	vadd.scan.msk.f32 $0xffff, v0;
	v0 =	vld [tilespmem:s12+$0xFFFFFF90];
	s9 =	simm.s32 $0xB280;
	v2 =	vmul.f32 $1.442695020e+00, v2  }
0x1ca: {  	[tilespmem:s17+$0xFFFFFFB0] =	vst v5;
	v5 =	vld [tilespmem:s9+$0x40]  }
0x1cb: {  	(xrf2) =	vadd.scan.msk.f32 $0xffff, v1;
	v11 =	vld [tilespmem:s9+$0x50];
	s4 =	simm.s32 $0xD280;
	v2 =	vbroadcast v2, $0x0  }
0x1cc: {  	v10 =	vld [tilespmem:s4+$0x40]  }
0x1cd: {  	(erf) = vpow2.f32 v2;
	v2 =	vld [tilespmem:s4+$0x50]  }
0x1ce: {  	v12 =	vld [tilespmem:s9+$0x60]  }
0x1cf: {  	v13 =	vld [tilespmem:s4+$0x60]  }
0x1d0: {  	v15 =	vld [tilespmem:s9+$0x70]  }
0x1d1: {  	v16 =	vld [tilespmem:s4+$0x70]  }
0x1d2: {  	v1 =	vld [tilespmem:s12+$0xFFFFFFD0];
	v5 =	vmul.f32 v10, v5;
	v2 =	vmul.f32 v2, v11  }
0x1d3: {  	v19 =	vld [tilespmem:s9+$0x10];
	v14, _, _ =	vpop (xrf2)  }
0x1d4: {  	v21 =	vld [tilespmem:s9+$0xFFFFFF80];
	(v2sf) =	vpush v14, $0xF;
	v14, _, _ =	vpop (xrf2);
	v12 =	vmul.f32 v13, v12;
	v2 =	vadd.f32 v2, v5  }
0x1d5: {  	v22 =	vld [tilespmem:s9+$0xFFFFFFA0];
	(v2sf) =	vpush v14, $0xF;
	v14, _, _ =	vpop (xrf2)  }
0x1d6: {  	v25 =	vld [tilespmem:s9+$0xFFFFFFE0];
	(v2sf) =	vpush v14, $0xF;
	v2 =	vadd.f32 v12, v2;
	v12 =	vmul.f32 v16, v15  }
0x1d7: {  	v30 =	vld [tilespmem:s9+$0x20]  }
0x1d8: {  	v31 =	vld [tilespmem:s9+$0xFFFFFFB0];
	v2 =	vadd.f32 v12, v2  }
0x1d9: {  	v42 =	vld [tilespmem:s9+$0xFFFFFFF0]  }
0x1da: {  	v6 =	vld [tilespmem:s12+$0x10];
	(xrf2) =	vadd.scan.msk.f32 $0xffff, v2  }
0x1db: {  	v18 =	vld [tilespmem:s4+$0x0]  }
0x1dc: {  	v20 =	vld [tilespmem:s4+$0x10]  }
0x1dd: {  	v23 =	vld [tilespmem:s4+$0xFFFFFFA0]  }
0x1de: {  	v10 =	vld [tilespmem:s4+$0xFFFFFF80];
	v5 =	vpop (erf)  }
0x1df: {  	v13 =	vld [tilespmem:s4+$0xFFFFFF90];
	v16 =	vmul.f32 v5, v17  }
0x1e0: {  	s18 =	simm.s32 $0x111E0;
	v14 =	vld [tilespmem:s9+$0xFFFFFFC0]  }
0x1e1: {  	v11 =	vld [tilespmem:s9+$0xFFFFFF90];
	[tilespmem:s18+$0x50] =	vst v16  }
0x1e2: {  	v16 =	vld [tilespmem:s7+$0x50]  }
0x1e3: {  	v0 =	vmul.f32 v4, v0;
	v15 =	vld [tilespmem:s4+$0xFFFFFFC0];
	s10 =	spop (v2sf)  }
0x1e4: {  	v7 =	vmul.f32 v3, v7;
	v17 =	vld [tilespmem:s9+$0xFFFFFFD0];
	s8 =	smul.f32 $1.250000000e-01, s10;
	s11 =	spop (v2sf);
	v28, _, _ =	vpop (xrf2)  }
0x1e5: {  	[tilespmem:s17+$0xFFFFFF70] =	vst v0;
	v1 =	vmul.f32 v8, v1;
	v0 =	vmul.f32 v20, v19;
	v12 =	vld [tilespmem:s4+$0xFFFFFFD0];
	s10 =	smul.f32 $1.250000000e-01, s11;
	s15 =	spop (v2sf);
	(v2sf) =	vpush v28, $0xF  }
0x1e6: {  	v27 =	vld [tilespmem:s4+$0xFFFFFFE0];
	v10 =	vmul.f32 v10, v21;
	v11 =	vmul.f32 v13, v11;
	v24 =	vmov s8;
	s19 =	smul.f32 $1.250000000e-01, s15  }
0x1e7: {  	v2 =	vld [tilespmem:s9+$0x0];
	v16 =	vmul.f32 v5, v16;
	v24 =	vmul.f32 $1.442695020e+00, v24;
	v26 =	vmov s10  }
0x1e8: {  	v39 =	vld [tilespmem:s4+$0x20];
	v14 =	vmul.f32 v15, v14;
	v26 =	vmul.f32 $1.442695020e+00, v26;
	v29 =	vmov s19  }
0x1e9: {  	v41 =	vld [tilespmem:s4+$0xFFFFFFB0];
	[tilespmem:s18+$0x60] =	vst v16;
	v24 =	vbroadcast v24, $0x0;
	v38 =	vmul.f32 $1.442695020e+00, v29  }
0x1ea: {  	v12 =	vmul.f32 v12, v17;
	v16 =	vld [tilespmem:s7+$0x60];
	v26 =	vbroadcast v26, $0x0  }
0x1eb: {  	v43 =	vld [tilespmem:s4+$0xFFFFFFF0];
	(erf) = vpow2.f32 v24;
	v40 =	vbroadcast v38, $0x0  }
0x1ec: {  	[tilespmem:s17+$0x70] =	vst v7;
	v2 =	vmul.f32 v18, v2;
	v7 =	vadd.f32 v12, v14;
	v12 =	vld [tilespmem:s12+$0xFFFFFFA0];
	(erf) = vpow2.f32 v26  }
0x1ed: {  	v32 =	vld [tilespmem:s9+$0x30];
	v6 =	vmul.f32 v9, v6;
	v10 =	vadd.f32 v11, v10;
	(erf) = vpow2.f32 v40  }
0x1ee: {  	[tilespmem:s17+$0xFFFFFFC0] =	vst v1;
	v13 =	vld [tilespmem:s4+$0x30];
	v11 =	vmul.f32 v23, v22;
	v19 =	vadd.f32 v0, v2;
	v0 =	vmul.f32 v27, v25  }
0x1ef: {  	v20 =	vmul.f32 v41, v31;
	v21 =	vld [tilespmem:s12+$0xFFFFFFE0];
	v16 =	vmul.f32 v5, v16  }
0x1f0: {  	[tilespmem:s17+$0x10] =	vst v6;
	v15 =	vld [tilespmem:s7+$0xFFFFFF80];
	v10 =	vadd.f32 v11, v10;
	v6 =	vadd.f32 v0, v7;
	v7 =	vmul.f32 v43, v42  }
0x1f1: {  	v17 =	vld [tilespmem:s7+$0xFFFFFFC0];
	v12 =	vmul.f32 v4, v12;
	[tilespmem:s18+$0x70] =	vst v16;
	v16 =	vmul.f32 v39, v30  }
0x1f2: {  	v10 =	vadd.f32 v20, v10;
	v18 =	vld [tilespmem:s7+$0x0]  }
0x1f3: {  	v14 =	vld [tilespmem:s12+$0x70];
	v6 =	vadd.f32 v7, v6;
	v7 =	vmul.f32 v13, v32;
	[tilespmem:s17+$0xFFFFFF80] =	vst v12;
	v16 =	vadd.f32 v16, v19  }
0x1f4: {  	v12 =	vld [tilespmem:s12+$0xFFFFFFB0];
	v2 =	vpop (erf);
	s11 =	spop (v2sf)  }
0x1f5: {  	(xrf2) =	vadd.scan.msk.f32 $0xffff, v10;
	v11 =	vld [tilespmem:s7+$0x70];
	v7 =	vadd.f32 v7, v16;
	v15 =	vmul.f32 v2, v15;
	v1 =	vpop (erf);
	s4 =	smul.f32 $1.250000000e-01, s11  }
0x1f6: {  	s9 =	simm.s32 $0xF280;
	(xrf2) =	vadd.scan.msk.f32 $0xffff, v6;
	v19 =	vld [tilespmem:s12+$0x20];
	v0 =	vpop (erf);
	v17 =	vmul.f32 v1, v17  }
0x1f7: {  	(xrf2) =	vadd.scan.msk.f32 $0xffff, v7;
	v7 =	vld [tilespmem:s9+$0x40];
	[tilespmem:s18+$0xFFFFFF60] =	vst v15;
	v15 =	vmul.f32 v0, v18;
	v6 =	vmov s4  }
0x1f8: {  	v13 =	vld [tilespmem:s7+$0xFFFFFF90];
	[tilespmem:s18+$0xFFFFFFB0] =	vst v17;
	v6 =	vmul.f32 $1.442695020e+00, v6  }
0x1f9: {  	v10 =	vld [tilespmem:s7+$0xFFFFFFD0];
	[tilespmem:s18+$0x0] =	vst v15  }
0x1fa: {  	v15 =	vld [tilespmem:s7+$0x10];
	s11 =	simm.s32 $0xD380;
	v6 =	vbroadcast v6, $0x0  }
0x1fb: {  	v17 =	vld [tilespmem:s11+$0x40];
	s4 =	simm.s32 $0xB380  }
0x1fc: {  	v16 =	vld [tilespmem:s4+$0x40];
	(erf) = vpow2.f32 v6  }
0x1fd: {  	v18 =	vld [tilespmem:s4+$0x50]  }
0x1fe: {  	v6 =	vld [tilespmem:s11+$0x50]  }
0x1ff: {  	v23, _, _ =	vpop (xrf2);
	v22 =	vld [tilespmem:s11+$0x60]  }
0x200: {  	(v2sf) =	vpush v23, $0xF;
	v23, _, _ =	vpop (xrf2);
	v20 =	vld [tilespmem:s4+$0x60]  }
0x201: {  	(v2sf) =	vpush v23, $0xF;
	v45 =	vld [tilespmem:s11+$0x70];
	v46, _, _ =	vpop (xrf2)  }
0x202: {  	v23 =	vld [tilespmem:s11+$0xFFFFFF80];
	(v2sf) =	vpush v46, $0xF  }
0x203: {  	v44 =	vld [tilespmem:s4+$0x70];
	v16 =	vmul.f32 v17, v16;
	v6 =	vmul.f32 v6, v18  }
0x204: {  	v47 =	vld [tilespmem:s11+$0xFFFFFFC0]  }
0x205: {  	v49 =	vld [tilespmem:s11+$0xFFFFFFD0];
	v6 =	vadd.f32 v6, v16;
	v16 =	vmul.f32 v22, v20;
	v22 =	vpop (erf)  }
0x206: {  	v51 =	vld [tilespmem:s11+$0x10];
	v7 =	vmul.f32 v22, v7  }
0x207: {  	s10 =	simm.s32 $0x11320;
	v54 =	vld [tilespmem:s11+$0xFFFFFFA0]  }
0x208: {  	v48 =	vld [tilespmem:s4+$0xFFFFFFD0];
	v6 =	vadd.f32 v16, v6;
	v16 =	vmul.f32 v45, v44;
	[tilespmem:s10+$0x50] =	vst v7  }
0x209: {  	v7 =	vld [tilespmem:s9+$0x50]  }
0x20a: {  	v52 =	vld [tilespmem:s4+$0xFFFFFF80];
	v6 =	vadd.f32 v16, v6  }
0x20b: {  	v17 =	vld [tilespmem:s4+$0xFFFFFF90]  }
0x20c: {  	v18 =	vld [tilespmem:s11+$0xFFFFFF90];
	(xrf2) =	vadd.scan.msk.f32 $0xffff, v6  }
0x20d: {  	v20 =	vld [tilespmem:s4+$0xFFFFFFC0]  }
0x20e: {  	v16 =	vld [tilespmem:s4+$0x0];
	v7 =	vmul.f32 v22, v7  }
0x20f: {  	v11 =	vmul.f32 v5, v11;
	s15 =	spop (v2sf);
	v6 =	vld [tilespmem:s11+$0x0]  }
0x210: {  	v14 =	vmul.f32 v3, v14;
	v56 =	vld [tilespmem:s11+$0xFFFFFFE0];
	s8 =	smul.f32 $1.250000000e-01, s15;
	s15 =	spop (v2sf);
	[tilespmem:s10+$0x60] =	vst v7  }
0x211: {  	v3 =	vnsel vm0, $0x0, v3;
	[tilespmem:s18+$0x80] =	vst v11;
	v11 =	vmul.f32 v2, v13;
	v24 =	vmul.f32 v49, v48;
	s15 =	smul.f32 $1.250000000e-01, s15;
	s19 =	spop (v2sf);
	v7 =	vld [tilespmem:s9+$0x60]  }
0x212: {  	v34 =	vld [tilespmem:s11+$0x20];
	v17 =	vmul.f32 v18, v17;
	v18 =	vmul.f32 v47, v20;
	v20 =	vmov s8;
	s8 =	smul.f32 $1.250000000e-01, s19  }
0x213: {  	v50 =	vld [tilespmem:s4+$0x10];
	[tilespmem:s18+$0xFFFFFF70] =	vst v11;
	v11 =	vmul.f32 v23, v52;
	v57 =	vmov s15;
	v20 =	vmul.f32 $1.442695020e+00, v20  }
0x214: {  	[tilespmem:s17+$0x90] =	vst v3;
	v53 =	vld [tilespmem:s4+$0xFFFFFFA0];
	v3 =	vmov s8;
	v6 =	vmul.f32 v6, v16;
	v16 =	vmul.f32 $1.442695020e+00, v57  }
0x215: {  	[tilespmem:s17+$0x80] =	vst v14;
	v55 =	vld [tilespmem:s4+$0xFFFFFFE0];
	v14 =	vbroadcast v20, $0x0;
	v3 =	vmul.f32 $1.442695020e+00, v3  }
0x216: {  	v33 =	vld [tilespmem:s4+$0x20];
	v16 =	vbroadcast v16, $0x0;
	v58, _, _ =	vpop (xrf2);
	v7 =	vmul.f32 v22, v7  }
0x217: {  	v59 =	vld [tilespmem:s4+$0xFFFFFFB0];
	(erf) = vpow2.f32 v14;
	v3 =	vbroadcast v3, $0x0;
	(v2sf) =	vpush v58, $0xF  }
0x218: {  	v35 =	vld [tilespmem:s4+$0xFFFFFFF0];
	(erf) = vpow2.f32 v16;
	[tilespmem:s10+$0x70] =	vst v7;
	v7 =	vmul.f32 v9, v19  }
0x219: {  	v5 =	vnsel vm0, $0x0, v5;
	v20 =	vld [tilespmem:s11+$0xFFFFFFB0];
	(erf) = vpow2.f32 v3;
	v3 =	vmul.f32 v1, v10  }
0x21a: {  	v13 =	vadd.f32 v24, v18;
	v18 =	vld [tilespmem:s9+$0xFFFFFFC0];
	v10 =	vmul.f32 v0, v15;
	[tilespmem:s17+$0x20] =	vst v7;
	v7 =	vmul.f32 v51, v50  }
0x21b: {  	[tilespmem:s18+$0x90] =	vst v5;
	v14 =	vld [tilespmem:s11+$0xFFFFFFF0]  }
0x21c: {  	[tilespmem:s18+$0x10] =	vst v10;
	v10 =	vmul.f32 v54, v53;
	v5 =	vld [tilespmem:s9+$0x70];
	v6 =	vadd.f32 v7, v6;
	v7 =	vadd.f32 v17, v11  }
0x21d: {  	v21 =	vmul.f32 v8, v21;
	v16 =	vld [tilespmem:s4+$0x30];
	[tilespmem:s18+$0xFFFFFFC0] =	vst v3;
	v3 =	vmul.f32 v4, v12;
	v4 =	vnsel vm0, $0x0, v4  }
0x21e: {  	v23 =	vmul.f32 v34, v33;
	v15 =	vld [tilespmem:s9+$0xFFFFFF80];
	[tilespmem:s17+$0xFFFFFFA0] =	vst v4;
	v4 =	vadd.f32 v10, v7;
	v7 =	vmul.f32 v20, v59  }
0x21f: {  	v12 =	vnsel vm0, $0x0, v22;
	[tilespmem:s17+$0xFFFFFF90] =	vst v3;
	v3 =	vmul.f32 v56, v55;
	v19 =	vld [tilespmem:s11+$0x30]  }
0x220: {  	[tilespmem:s17+$0xFFFFFFD0] =	vst v21;
	v21 =	vld [tilespmem:s9+$0x0];
	v23 =	vadd.f32 v23, v6;
	v6 =	vadd.f32 v7, v4  }
0x221: {  	v60 =	vld [tilespmem:s7+$0xFFFFFFA0];
	v14 =	vmul.f32 v14, v35;
	v5 =	vmul.f32 v22, v5;
	v22 =	vadd.f32 v3, v13  }
0x222: {  	v61 =	vld [tilespmem:s7+$0x20];
	[tilespmem:s10+$0x90] =	vst v12;
	v12 =	vpop (erf);
	(xrf2) =	vadd.scan.msk.f32 $0xffff, v6  }
0x223: {  	v62 =	vld [tilespmem:s12+$0xFFFFFFF0];
	v17 =	vnsel vm0, $0x0, v8;
	v3 =	vpop (erf);
	v13 =	vmul.f32 v12, v15;
	v22 =	vadd.f32 v14, v22  }
0x224: {  	[tilespmem:s17+$0xFFFFFFF0] =	vst v17;
	v20 =	vld [tilespmem:s7+$0xFFFFFFE0];
	v15 =	vmul.f32 v3, v18;
	v18 =	vmul.f32 v19, v16  }
0x225: {  	[tilespmem:s10+$0x80] =	vst v5;
	v4 =	vpop (erf);
	(xrf2) =	vadd.scan.msk.f32 $0xffff, v22  }
0x226: {  	[tilespmem:s10+$0xFFFFFF60] =	vst v13;
	v23 =	vadd.f32 v18, v23;
	s19 =	spop (v2sf);
	v17 =	vmul.f32 v4, v21;
	v21 =	vld [tilespmem:s12+$0x30]  }
0x227: {  	v25 =	vmul.f32 v0, v61;
	v11 =	vnsel vm0, $0x0, v2;
	v19 =	vmul.f32 v2, v60;
	v16 =	vld [tilespmem:s9+$0xFFFFFF90];
	[tilespmem:s10+$0xFFFFFFB0] =	vst v15;
	s4 =	smul.f32 $1.250000000e-01, s19  }
0x228: {  	v10 =	vnsel vm0, $0x0, v9;
	v7 =	vnsel vm0, $0x0, v1;
	v15 =	vld [tilespmem:s9+$0xFFFFFFD0];
	(xrf2) =	vadd.scan.msk.f32 $0xffff, v23;
	[tilespmem:s10+$0x0] =	vst v17  }
0x229: {  	v5 =	vnsel vm0, $0x0, v0;
	[tilespmem:s18+$0xFFFFFF80] =	vst v19;
	v63 =	vmul.f32 v1, v20;
	v18 =	vmov s4;
	v17 =	vld [tilespmem:s9+$0x10]  }
0x22a: {  	[tilespmem:s18+$0x20] =	vst v25;
	v13 =	vnsel vm0, $0x0, v12;
	v19 =	vmul.f32 v8, v62;
	s12 =	simm.s32 $0xF380;
	v20 =	vmul.f32 $1.442695020e+00, v18;
	v18 =	vld [tilespmem:s7+$0xFFFFFFB0]  }
0x22b: {  	s15 =	simm.s32 $0xB480;
	v6 =	vnsel vm0, $0x0, v3;
	v14 =	vnsel vm0, $0x0, v4;
	v8 =	vld [tilespmem:s12+$0x40];
	[tilespmem:s18+$0xFFFFFFD0] =	vst v63;
	s4 =	simm.s32 $0xC;
	v9 =	vmul.f32 v9, v21  }
.LBB2_5:
0x22c: {  	v21 =	vld [tilespmem:s15+$0x40];
	v23 =	vbroadcast v20, $0x0;
	s11 =	sadd.s32 $0x100, s11;
	v22, _, _ =	vpop (xrf2);
	v16 =	vmul.f32 v12, v16;
	[tilespmem:s17+$0xFFFFFFE0] =	vst v19  }
0x22d: {  	v19 =	vld [tilespmem:s11+$0x40];
	(v2sf) =	vpush v22, $0xF;
	v15 =	vmul.f32 v3, v15;
	[tilespmem:s17+$0x30] =	vst v9  }
0x22e: {  	v9 =	vld [tilespmem:s15+$0x50];
	(erf) = vpow2.f32 v23;
	[tilespmem:s10+$0xFFFFFF70] =	vst v16;
	v16 =	vmul.f32 v4, v17  }
0x22f: {  	s4 =	sadd.s32 $0x4, s4;
	v17 =	vld [tilespmem:s11+$0x50];
	v20, _, _ =	vpop (xrf2);
	[tilespmem:s10+$0xFFFFFFC0] =	vst v15;
	v15 =	vmul.f32 v2, v18;
	v2 =	vmov v12  }
0x230: {  	p0 =	slt.u32 s4, $0x7C;
	v12 =	vld [tilespmem:s15+$0x60];
	(v2sf) =	vpush v20, $0xF;
	[tilespmem:s10+$0x10] =	vst v16  }
0x231: {  	v16 =	vld [tilespmem:s11+$0x60];
	[tilespmem:s18+$0xFFFFFF90] =	vst v15  }
0x232: {  	v15 =	vld [tilespmem:s15+$0x70];
	v18, _, _ =	vpop (xrf2);
	[tilespmem:s18+$0xFFFFFFA0] =	vst v11;
	v11 =	vmov v13  }
0x233: {  	v13 =	vld [tilespmem:s11+$0x70];
	(v2sf) =	vpush v18, $0xF;
	[tilespmem:s17+$0x40] =	vst v10;
	v10 =	vmov v5;
	v5 =	vmov v14;
	s17 =	smov.u32 s18;
	s18 =	smov.u32 s10  }
0x234: {  	v20 =	vmul.f32 v19, v21;
	v14 =	vld [tilespmem:s11+$0xFFFFFF80];
	v9 =	vmul.f32 v17, v9  }
0x235: {  	v17 =	vld [tilespmem:s15+$0xFFFFFF90]  }
0x236: {  	v19 =	vld [tilespmem:s11+$0xFFFFFF90];
	v9 =	vadd.f32 v9, v20;
	v12 =	vmul.f32 v16, v12  }
0x237: {  	v16 =	vld [tilespmem:s15+$0xFFFFFFC0];
	v18 =	vpop (erf)  }
0x238: {  	v20 =	vld [tilespmem:s11+$0xFFFFFFC0];
	v9 =	vadd.f32 v12, v9;
	v12 =	vmul.f32 v13, v15;
	v8 =	vmul.f32 v18, v8  }
0x239: {  	s10 =	sadd.s32 $0x140, s10;
	v15 =	vnsel vm0, $0x0, v18;
	v13 =	vld [tilespmem:s15+$0xFFFFFFD0]  }
0x23a: {  	v21 =	vld [tilespmem:s11+$0xFFFFFFD0];
	v9 =	vadd.f32 v12, v9;
	[tilespmem:s10+$0x50] =	vst v8  }
0x23b: {  	v8 =	vmul.f32 v19, v17;
	v12 =	vld [tilespmem:s12+$0x50]  }
0x23c: {  	v17 =	vld [tilespmem:s15+$0x0];
	(xrf2) =	vadd.scan.msk.f32 $0xffff, v9;
	s8 =	spop (v2sf)  }
0x23d: {  	v9 =	vmul.f32 v20, v16;
	v16 =	vld [tilespmem:s11+$0x0];
	s8 =	smul.f32 $1.250000000e-01, s8  }
0x23e: {  	v19 =	vld [tilespmem:s15+$0x10]  }
0x23f: {  	v13 =	vmul.f32 v21, v13;
	v20 =	vld [tilespmem:s11+$0x10];
	v21 =	vmov s8;
	s8 =	spop (v2sf)  }
0x240: {  	v22 =	vld [tilespmem:s15+$0xFFFFFF80];
	v21 =	vmul.f32 $1.442695020e+00, v21;
	s8 =	smul.f32 $1.250000000e-01, s8;
	v12 =	vmul.f32 v18, v12  }
0x241: {  	v23 =	vld [tilespmem:s15+$0xFFFFFFA0];
	v9 =	vadd.f32 v13, v9  }
0x242: {  	v13 =	vld [tilespmem:s11+$0xFFFFFFA0];
	v16 =	vmul.f32 v16, v17;
	v17 =	vbroadcast v21, $0x0;
	v21 =	vmov s8;
	[tilespmem:s10+$0x60] =	vst v12;
	s8 =	spop (v2sf)  }
0x243: {  	v12 =	vmul.f32 $1.442695020e+00, v21;
	s8 =	smul.f32 $1.250000000e-01, s8;
	v21 =	vld [tilespmem:s12+$0x60]  }
0x244: {  	v24 =	vld [tilespmem:s15+$0xFFFFFFE0];
	v19 =	vmul.f32 v20, v19;
	(erf) = vpow2.f32 v17  }
0x245: {  	v14 =	vmul.f32 v14, v22;
	v17 =	vld [tilespmem:s11+$0xFFFFFFE0];
	v12 =	vbroadcast v12, $0x0;
	v20 =	vmov s8  }
0x246: {  	v16 =	vadd.f32 v19, v16;
	v19 =	vld [tilespmem:s15+$0x20];
	v22, _, _ =	vpop (xrf2);
	v20 =	vmul.f32 $1.442695020e+00, v20  }
0x247: {  	v8 =	vadd.f32 v8, v14;
	v13 =	vmul.f32 v13, v23;
	v14 =	vld [tilespmem:s11+$0x20];
	(v2sf) =	vpush v22, $0xF  }
0x248: {  	v22 =	vld [tilespmem:s15+$0xFFFFFFB0];
	v20 =	vbroadcast v20, $0x0;
	v21 =	vmul.f32 v18, v21  }
0x249: {  	v8 =	vadd.f32 v13, v8;
	v13 =	vld [tilespmem:s11+$0xFFFFFFB0];
	(erf) = vpow2.f32 v12  }
0x24a: {  	v23 =	vmul.f32 v17, v24;
	v17 =	vld [tilespmem:s15+$0xFFFFFFF0];
	[tilespmem:s10+$0x70] =	vst v21;
	(erf) = vpow2.f32 v20  }
0x24b: {  	v20 =	vld [tilespmem:s12+$0x70];
	[tilespmem:s10+$0x90] =	vst v15  }
0x24c: {  	v9 =	vadd.f32 v23, v9;
	v15 =	vld [tilespmem:s11+$0xFFFFFFF0];
	v14 =	vmul.f32 v14, v19  }
0x24d: {  	v19 =	vld [tilespmem:s15+$0x30];
	v12 =	vpop (erf)  }
0x24e: {  	v21 =	vmul.f32 v13, v22;
	v16 =	vadd.f32 v14, v16;
	v14 =	vld [tilespmem:s11+$0x30];
	v13 =	vnsel vm0, $0x0, v12  }
0x24f: {  	v22 =	vld [tilespmem:s12+$0xFFFFFF80]  }
0x250: {  	v24 =	vadd.f32 v21, v8;
	v21 =	vld [tilespmem:s12+$0xFFFFFFC0];
	v18 =	vmul.f32 v18, v20  }
0x251: {  	v15 =	vmul.f32 v15, v17;
	v17 =	vld [tilespmem:s12+$0x0]  }
0x252: {  	(xrf2) =	vadd.scan.msk.f32 $0xffff, v24;
	[tilespmem:s10+$0x80] =	vst v18;
	v8 =	vpop (erf);
	v18 =	vld [tilespmem:s9+$0xFFFFFFA0]  }
0x253: {  	v9 =	vadd.f32 v15, v9;
	v15 =	vmul.f32 v14, v19;
	v19 =	vnsel vm0, $0x0, v8;
	v23 =	vpop (erf);
	v20 =	vld [tilespmem:s9+$0xFFFFFFE0]  }
0x254: {  	v22 =	vmul.f32 v12, v22;
	v14 =	vnsel vm0, $0x0, v23;
	v24 =	vld [tilespmem:s9+$0x20]  }
0x255: {  	v15 =	vadd.f32 v15, v16;
	(xrf2) =	vadd.scan.msk.f32 $0xffff, v9;
	v9 =	vmul.f32 v8, v21;
	v21 =	vld [tilespmem:s7+$0xFFFFFFF0];
	[tilespmem:s17+$0xFFFFFFF0] =	vst v7;
	v7 =	vmovc v6  }
0x256: {  	s8 =	spop (v2sf)  }
0x257: {  	v6 =	vmov v19;
	[tilespmem:s10+$0xFFFFFF60] =	vst v22;
	v17 =	vmul.f32 v23, v17;
	v22 =	vld [tilespmem:s7+$0x30];
	s7 =	smov.u32 s9;
	s9 =	smov.u32 s12;
	s8 =	smul.f32 $1.250000000e-01, s8  }
.Ltmp1:
0x258: {  	v16 =	vld [tilespmem:s12+$0xFFFFFF90];
	[tilespmem:s10+$0xFFFFFFB0] =	vst v9;
	v9 =	vmul.f32 v2, v18;
	(pc) =	sbr.rel @p0 .LBB2_5-.Ltmp1, $4  }
0x259: {  	(xrf2) =	vadd.scan.msk.f32 $0xffff, v15;
	v15 =	vld [tilespmem:s12+$0xFFFFFFD0];
	[tilespmem:s10+$0x0] =	vst v17;
	v19 =	vmul.f32 v3, v20  }
0x25a: {  	v18 =	vmov s8;
	v17 =	vld [tilespmem:s12+$0x10];
	[tilespmem:s18+$0xFFFFFF80] =	vst v9;
	v9 =	vmul.f32 v4, v24  }
0x25b: {  	s12 =	sadd.s32 $0x100, s12;
	v20 =	vmul.f32 $1.442695020e+00, v18;
	v18 =	vld [tilespmem:s7+$0xFFFFFFB0];
	[tilespmem:s18+$0xFFFFFFD0] =	vst v19;
	v19 =	vmul.f32 v1, v21;
	v1 =	vmovc v3;
	v3 =	vmov v8  }
0x25c: {  	s15 =	sadd.s32 $0x100, s15;
	v8 =	vld [tilespmem:s12+$0x40];
	[tilespmem:s18+$0x20] =	vst v9;
	v9 =	vmul.f32 v0, v22;
	v0 =	vmov v4;
	v4 =	vmov v23  }
0x25d: {  	_ =	sdelay $0x2  }
0x25e: {  	v21, _, _ =	vpop (xrf2)  }
0x25f: {  	v20 =	vbroadcast v20, $0x0;
	(v2sf) =	vpush v21, $0xF  }
0x260: {  	v25, _, _ =	vpop (xrf2)  }
0x261: {  	(erf) = vpow2.f32 v20;
	(v2sf) =	vpush v25, $0xF;
	v26, _, _ =	vpop (xrf2)  }
0x262: {  	(v2sf) =	vpush v26, $0xF;
	_ =	sdelay $0x7  }
0x263: {  	v27 =	vpop (erf)  }
0x264: {  	v8 =	vmul.f32 v27, v8  }
0x265: {  	s4 =	sadd.s32 $0x140, s10  }
0x266: {  	[tilespmem:s4+$0x50] =	vst v8  }
0x267: {  	v8 =	vld [tilespmem:s12+$0x50];
	s8 =	spop (v2sf)  }
0x268: {  	s8 =	smul.f32 $1.250000000e-01, s8  }
0x269: {  	s19 =	spop (v2sf)  }
0x26a: {  	v28 =	vmov s8;
	s8 =	smul.f32 $1.250000000e-01, s19;
	s11 =	spop (v2sf)  }
0x26b: {  	s11 =	smul.f32 $1.250000000e-01, s11  }
0x26c: {  	v21 =	vmul.f32 $1.442695020e+00, v28;
	v8 =	vmul.f32 v27, v8;
	v22 =	vmov s8  }
0x26d: {  	v22 =	vmul.f32 $1.442695020e+00, v22;
	v29 =	vmov s11  }
0x26e: {  	v21 =	vbroadcast v21, $0x0;
	[tilespmem:s4+$0x60] =	vst v8;
	v8 =	vmul.f32 $1.442695020e+00, v29  }
0x26f: {  	v22 =	vbroadcast v22, $0x0  }
0x270: {  	[tilespmem:s17+$0xFFFFFFE0] =	vst v19;
	(erf) = vpow2.f32 v21;
	v8 =	vbroadcast v8, $0x0  }
0x271: {  	[tilespmem:s18+$0xFFFFFFA0] =	vst v11;
	(erf) = vpow2.f32 v22  }
0x272: {  	[tilespmem:s17+$0x40] =	vst v10;
	v44 =	vld [tilespmem:s7+$0xFFFFFFF0];
	(erf) = vpow2.f32 v8  }
0x273: {  	[tilespmem:s18+$0xFFFFFFF0] =	vst v7;
	v46 =	vld [tilespmem:s7+$0x30]  }
0x274: {  	v16 =	vmul.f32 v12, v16;
	[tilespmem:s18+$0x40] =	vst v5;
	v30 =	vld [tilespmem:s12+$0x60]  }
0x275: {  	v32 =	vld [tilespmem:s12+$0xFFFFFF80];
	[tilespmem:s17+$0x30] =	vst v9;
	v15 =	vmul.f32 v3, v15  }
0x276: {  	v35 =	vld [tilespmem:s12+$0xFFFFFFC0];
	[tilespmem:s10+$0xFFFFFF70] =	vst v16;
	v33 =	vmul.f32 v4, v17  }
0x277: {  	v36 =	vld [tilespmem:s12+$0x0];
	[tilespmem:s10+$0xFFFFFFC0] =	vst v15;
	v2 =	vmul.f32 v2, v18  }
0x278: {  	[tilespmem:s10+$0x10] =	vst v33;
	v1 =	vmul.f32 v1, v44  }
0x279: {  	v37 =	vld [tilespmem:s9+$0xFFFFFFA0];
	[tilespmem:s18+$0xFFFFFF90] =	vst v2;
	v31 =	vmul.f32 v27, v30;
	v34 =	vpop (erf)  }
0x27a: {  	v42 =	vld [tilespmem:s9+$0xFFFFFFE0];
	[tilespmem:s18+$0xFFFFFFE0] =	vst v1;
	v8 =	vmul.f32 v34, v32;
	v39 =	vpop (erf)  }
0x27b: {  	[tilespmem:s4+$0x70] =	vst v31;
	v16 =	vmul.f32 v39, v35;
	v41 =	vpop (erf)  }
0x27c: {  	v9 =	vld [tilespmem:s12+$0x70];
	[tilespmem:s4+$0xFFFFFF60] =	vst v8;
	v2 =	vmul.f32 v41, v36  }
0x27d: {  	v0 =	vmul.f32 v0, v46;
	v40 =	vld [tilespmem:s12+$0xFFFFFF90];
	[tilespmem:s4+$0xFFFFFFB0] =	vst v16  }
0x27e: {  	v11 =	vmul.f32 v12, v37;
	v16 =	vld [tilespmem:s12+$0xFFFFFFD0];
	[tilespmem:s4+$0x0] =	vst v2  }
0x27f: {  	[tilespmem:s18+$0x30] =	vst v0;
	v18 =	vmul.f32 v3, v42;
	v2 =	vld [tilespmem:s12+$0x10]  }
0x280: {  	[tilespmem:s10+$0xFFFFFF80] =	vst v11  }
0x281: {  	v43 =	vld [tilespmem:s9+$0x20];
	[tilespmem:s10+$0xFFFFFFD0] =	vst v18;
	v9 =	vmul.f32 v27, v9  }
0x282: {  	v11 =	vld [tilespmem:s9+$0xFFFFFFB0];
	[tilespmem:s10+$0xFFFFFFA0] =	vst v13;
	v45 =	vmul.f32 v34, v40  }
0x283: {  	v52 =	vld [tilespmem:s9+$0xFFFFFFF0];
	[tilespmem:s4+$0x80] =	vst v9;
	v47 =	vmul.f32 v39, v16  }
0x284: {  	[tilespmem:s4+$0xFFFFFF70] =	vst v45;
	v48 =	vmul.f32 v41, v2  }
0x285: {  	v7 =	vld [tilespmem:s12+$0xFFFFFFA0];
	[tilespmem:s4+$0xFFFFFFC0] =	vst v47  }
0x286: {  	v9 =	vmul.f32 v4, v43;
	v50 =	vld [tilespmem:s12+$0xFFFFFFE0];
	[tilespmem:s4+$0x10] =	vst v48  }
0x287: {  	[tilespmem:s10+$0xFFFFFFF0] =	vst v6;
	v49 =	vmul.f32 v12, v11;
	v51 =	vld [tilespmem:s12+$0x20]  }
0x288: {  	v54 =	vmul.f32 v3, v52;
	[tilespmem:s10+$0x20] =	vst v9  }
0x289: {  	[tilespmem:s10+$0xFFFFFF90] =	vst v49;
	v53 =	vld [tilespmem:s9+$0x30]  }
0x28a: {  	v38 =	vnsel vm0, $0x0, v27;
	[tilespmem:s10+$0xFFFFFFE0] =	vst v54;
	v7 =	vmul.f32 v34, v7  }
0x28b: {  	[tilespmem:s4+$0x90] =	vst v38;
	v1 =	vmul.f32 v39, v50  }
0x28c: {  	[tilespmem:s4+$0xFFFFFF80] =	vst v7;
	v0 =	vmul.f32 v41, v51  }
0x28d: {  	v7 =	vld [tilespmem:s12+$0xFFFFFFB0];
	[tilespmem:s4+$0xFFFFFFD0] =	vst v1  }
0x28e: {  	v55 =	vmul.f32 v4, v53;
	v56 =	vld [tilespmem:s12+$0xFFFFFFF0];
	[tilespmem:s4+$0x20] =	vst v0  }
0x28f: {  	[tilespmem:s10+$0x40] =	vst v14;
	v58 =	vld [tilespmem:s12+$0x30]  }
0x290: {  	v59 =	vnsel vm0, $0x0, v34;
	[tilespmem:s10+$0x30] =	vst v55  }
0x291: {  	v60 =	vnsel vm0, $0x0, v39;
	[tilespmem:s4+$0xFFFFFFA0] =	vst v59  }
0x292: {  	v63 =	vnsel vm0, $0x0, v41;
	[tilespmem:s4+$0xFFFFFFF0] =	vst v60;
	v57 =	vmul.f32 v34, v7  }
0x293: {  	[tilespmem:s4+$0x40] =	vst v63;
	v61 =	vmul.f32 v39, v56  }
0x294: {  	s2 =	sadd.s32 $0x1, s2;
	[tilespmem:s4+$0xFFFFFF90] =	vst v57;
	v62 =	vmul.f32 v41, v58  }
0x295: {  	p0 =	sne.s32 s2, $0x28;
	[tilespmem:s4+$0xFFFFFFE0] =	vst v61  }
.Ltmp2:
0x296: {  	[tilespmem:s4+$0x30] =	vst v62;
	(pc) =	sbr.rel @p0 .LBB2_2-.Ltmp2, $4  }
0x297: {  	[spmem:s3] =	stream.indirect.scatter.add.f32 [tilespmem:s26], [sflag:$0x7], $0x50, s0, s16, $0xb8;
	[tilespmem:$0x1FD80] =	vst v63  }
0x298: {  	_ =	swait.ge [sflag:s14], $0x2800  }
0x299: {  	[sflag:s14] =	ssyncset.done $0x0  }
0x29a: {  	[sflag:s14] =	ssyncadd.s32 $0xFFFFD800  }
0x29b: {  	[bflag:$0x0] =	sbarrier.arrive $0xFFFF  }
0x29c: {  	s0 =	rddreg [dreg:$0x7]  }
0x29d: {  	s2 =	rddreg [dreg:$0x9]  }
0x29e: {  	[hbm:s0], [sflag:s13] =	dma.local [spmem:s2], $0x18B0  }
0x29f: {  	_ =	swait.ge [sflag:s14], $0x18B0  }
0x2a0: {  	s31 =	sadd.s32 $0x1, s31;
	s19 =	rddreg [dreg:$0x8]  }
0x2a1: {  	p0 =	sne.s32 s31, s19  }
.Ltmp3:
0x2a2: {  	_ = 	snop;
	(pc) =	sbr.rel @p0 .LBB2_1-.Ltmp3, $3  }
0x2a3: {  	_ =	sdelay $0x1  }
0x2a4: {  	[sflag:s14] =	ssyncset.done $0x0  }
0x2a5: {  	s8 =	smov.u32 s13;
	[sflag:s14] =	ssyncadd.s32 $0xFFFFE750  }
0x2a6: {  	_ =	sfence.sel $0x180000  }
0x2a7: {  	[bflag:$0x0] =	sbarrier.arrive $0xFFFF  }
0x2a8: {  	_ =	strace $0x90000047  }
0x2a9: {  	s0 =	stileid.u32;
	[bflag:$0x2] =	sbarrier.arrive $0xFFFF  }
0x2aa: {  	p0 =	sne.s32 s0, $0x0;
	s0 =	rddreg [dreg:$0x3]  }
0x2ab: {  	s0 =	sadd.s32 @!p0 $0x100000, s0  }
0x2ac: {  	[sflag:s0] =	ssyncadd.tile.s32 @!p0 $0x1;
	_ =	shalt  }
.Lfunc_end2:
_tile_overlayer_lowered:
.L_overlay_start_2:
0x2ad: {  	(tag) =	ssettag $0x2  }
0x2ae: {  	s0 =	rddreg [dreg:$0x0];
	s2 =	stileid.u32  }
0x2af: {  	s1 =	rddreg [dreg:$0x1];
	p0 =	sne.s32 s2, $0x0  }
0x2b0: {  	s3 =	rddreg [dreg:$0x2];
	[bflag:$0x3] =	sbarrier.arrive $0xFFFF;
	s2 =	simm.s32 @!p0 $0x1C07  }
0x2b1: {  	[timem:s3], [sflag:s2] =	dma.local @!p0 [hbm:s0], s1  }
0x2b2: {  	s0 =	simm.s32 @!p0 $0x7  }
0x2b3: {  	_ =	swait.ge @!p0 [sflag:s0], s1  }
0x2b4: {  	s1 =	ssub.s32 @!p0 $0x0, s1;
	[sflag:s0] =	ssyncset.done @!p0 $0x0  }
0x2b5: {  	[sflag:s0] =	ssyncadd.s32 @!p0 s1  }
0x2b6: {  	[bflag:$0x3] =	sbarrier.arrive $0xFFFF  }
0x2b7: {  	_ =	shalt  }

</sc_bundles>
